<compile_context>
chip_gen: v7x
topology: tpu7x:2x2x1
jax: 0.10.2.dev20260603
libtpu: 0.0.44.dev20260713+nightly
codegen_flags: <defaults>
</compile_context>

<pallas_src>
import functools

import jax
import jax.numpy as jnp
from jax import lax
from jax.experimental import pallas as pl
from jax.experimental.pallas import tpu as pltpu
from jax.experimental.pallas import tpu_sc as plsc

N = 10000
E = 320000
CIN = 128
COUT = 256
EPS = 1e-5

NC = 2
NS = 16
NW = NC * NS
EPT = E // NW
K = 128
HP = 10240
RPT = HP // NS
NBA = (EPT + K - 1) // K
EPADA = NBA * K

BLK = 1000
NBLK = N // BLK

_MESH = plsc.VectorSubcoreMesh(core_axis_name="c", subcore_axis_name="s")


@functools.partial(
    pl.kernel,
    out_type=jax.ShapeDtypeStruct((NC, HP, CIN), jnp.float32),
    mesh=_MESH,
    scratch_types=[
        pltpu.VMEM((NBA, K), jnp.int32),
        pltpu.VMEM((K, CIN), jnp.float32),
        pltpu.VMEM_SHARED((HP, CIN), jnp.float32),
    ],
)
def _sc_hist(dst_hbm, ones_hbm, zeros_hbm, out_hbm, dst_v, ones_v, hist_sh):
    cid = lax.axis_index("c")
    sid = lax.axis_index("s")
    wid = cid * NS + sid

    pltpu.sync_copy(zeros_hbm, hist_sh.at[pl.ds(sid * RPT, RPT)])
    pltpu.sync_copy(dst_hbm.at[wid], dst_v)
    pltpu.sync_copy(ones_hbm, ones_v)
    plsc.subcore_barrier()

    def body(j, carry):
        pltpu.sync_copy(ones_v, hist_sh.at[dst_v.at[j]], add=True)
        return carry

    lax.fori_loop(0, NBA, body, 0)
    plsc.subcore_barrier()
    pltpu.sync_copy(
        hist_sh.at[pl.ds(sid * RPT, RPT)],
        out_hbm.at[cid, pl.ds(sid * RPT, RPT)],
    )


@functools.partial(
    pl.kernel,
    out_type=jax.ShapeDtypeStruct((NC, HP, CIN), jnp.float32),
    mesh=_MESH,
    scratch_types=[
        pltpu.VMEM((NBA, K), jnp.int32),
        pltpu.VMEM((NBA, K), jnp.int32),
        pltpu.VMEM((K, CIN), jnp.float32),
        pltpu.VMEM_SHARED((HP, CIN), jnp.float32),
    ],
)
def _sc_agg(y_hbm, src_hbm, dst_hbm, zeros_hbm, out_hbm, src_v, dst_v,
            rows_v, agg_sh):
    cid = lax.axis_index("c")
    sid = lax.axis_index("s")
    wid = cid * NS + sid

    pltpu.sync_copy(zeros_hbm, agg_sh.at[pl.ds(sid * RPT, RPT)])
    pltpu.sync_copy(src_hbm.at[wid], src_v)
    pltpu.sync_copy(dst_hbm.at[wid], dst_v)
    plsc.subcore_barrier()

    def body(j, carry):
        pltpu.sync_copy(y_hbm.at[src_v.at[j]], rows_v)
        pltpu.sync_copy(rows_v, agg_sh.at[dst_v.at[j]], add=True)
        return carry

    lax.fori_loop(0, NBA, body, 0)
    plsc.subcore_barrier()
    pltpu.sync_copy(
        agg_sh.at[pl.ds(sid * RPT, RPT)],
        out_hbm.at[cid, pl.ds(sid * RPT, RPT)],
    )


def _tc_prep_body(hist_ref, x_ref, y_ref, dis_ref):
    h = hist_ref[...]
    deg = h[0, :, 0:1] + h[1, :, 0:1] + 1.0
    dis = lax.rsqrt(deg)
    y_ref[...] = x_ref[...] * dis
    dis_ref[...] = dis


def _tc_prep(hist2, x):
    return pl.pallas_call(
        _tc_prep_body,
        grid=(NBLK,),
        in_specs=[
            pl.BlockSpec((NC, BLK, CIN), lambda i: (0, i, 0)),
            pl.BlockSpec((BLK, CIN), lambda i: (i, 0)),
        ],
        out_specs=[
            pl.BlockSpec((BLK, CIN), lambda i: (i, 0)),
            pl.BlockSpec((BLK, 1), lambda i: (i, 0)),
        ],
        out_shape=[
            jax.ShapeDtypeStruct((N, CIN), jnp.float32),
            jax.ShapeDtypeStruct((N, 1), jnp.float32),
        ],
    )(hist2, x)


def _tc_stats_body(agg_ref, y_ref, dis_ref, w_ref, o_ref):
    i = pl.program_id(0)
    a = (agg_ref[0] + agg_ref[1] + y_ref[...]) * dis_ref[...]
    hmat = jnp.dot(a, w_ref[...], preferred_element_type=jnp.float32)
    s1 = jnp.sum(hmat, axis=0, keepdims=True)
    s2 = jnp.sum(hmat * hmat, axis=0, keepdims=True)

    @pl.when(i == 0)
    def _():
        o_ref[...] = jnp.zeros_like(o_ref)

    o_ref[...] += jnp.concatenate([s1, s2], axis=0)


def _tc_stats(agg2, y, dis, W):
    return pl.pallas_call(
        _tc_stats_body,
        grid=(NBLK,),
        in_specs=[
            pl.BlockSpec((NC, BLK, CIN), lambda i: (0, i, 0)),
            pl.BlockSpec((BLK, CIN), lambda i: (i, 0)),
            pl.BlockSpec((BLK, 1), lambda i: (i, 0)),
            pl.BlockSpec((CIN, COUT), lambda i: (0, 0)),
        ],
        out_specs=pl.BlockSpec((2, COUT), lambda i: (0, 0)),
        out_shape=jax.ShapeDtypeStruct((2, COUT), jnp.float32),
    )(agg2, y, dis, W)


def _tc_final_body(st_ref, agg_ref, y_ref, dis_ref, x_ref, w_ref, p_ref,
                   g_ref, be_ref, pb_ref, o_ref):
    st = st_ref[...]
    mean = st[0:1] / N
    var = st[1:2] / N - mean * mean
    scale = g_ref[...] * lax.rsqrt(var + EPS)
    shift = be_ref[...] - mean * scale + pb_ref[...]
    a = (agg_ref[0] + agg_ref[1] + y_ref[...]) * dis_ref[...]
    hmat = jnp.dot(a, w_ref[...], preferred_element_type=jnp.float32)
    idp = lax.dot_general(
        x_ref[...], p_ref[...],
        dimension_numbers=(((1,), (1,)), ((), ())),
        preferred_element_type=jnp.float32,
    )
    o_ref[...] = jnp.maximum(hmat * scale + idp + shift, 0.0)


def _tc_final(stats, agg2, y, dis, x, W, proj_W, gamma, beta, proj_b):
    return pl.pallas_call(
        _tc_final_body,
        grid=(NBLK,),
        in_specs=[
            pl.BlockSpec((2, COUT), lambda i: (0, 0)),
            pl.BlockSpec((NC, BLK, CIN), lambda i: (0, i, 0)),
            pl.BlockSpec((BLK, CIN), lambda i: (i, 0)),
            pl.BlockSpec((BLK, 1), lambda i: (i, 0)),
            pl.BlockSpec((BLK, CIN), lambda i: (i, 0)),
            pl.BlockSpec((CIN, COUT), lambda i: (0, 0)),
            pl.BlockSpec((COUT, CIN), lambda i: (0, 0)),
            pl.BlockSpec((1, COUT), lambda i: (0, 0)),
            pl.BlockSpec((1, COUT), lambda i: (0, 0)),
            pl.BlockSpec((1, COUT), lambda i: (0, 0)),
        ],
        out_specs=pl.BlockSpec((BLK, COUT), lambda i: (i, 0)),
        out_shape=jax.ShapeDtypeStruct((N, COUT), jnp.float32),
    )(stats, agg2, y, dis, x, W, proj_W, gamma, beta, proj_b)


def kernel(x, edge_index, W, b, gamma, beta, proj_W, proj_b):
    del b
    src = edge_index[0].astype(jnp.int32).reshape(NW, EPT)
    dst = edge_index[1].astype(jnp.int32).reshape(NW, EPT)
    pad = EPADA - EPT
    pad_dst = N + (jnp.arange(pad, dtype=jnp.int32) % (HP - N))
    pad_src = jnp.arange(pad, dtype=jnp.int32) % N
    src_p = jnp.concatenate(
        [src, jnp.broadcast_to(pad_src, (NW, pad))], axis=1
    ).reshape(NW, NBA, K)
    dst_p = jnp.concatenate(
        [dst, jnp.broadcast_to(pad_dst, (NW, pad))], axis=1
    ).reshape(NW, NBA, K)

    ones_rows = jnp.ones((K, CIN), jnp.float32)
    zeros_rows = jnp.zeros((RPT, CIN), jnp.float32)

    hist2 = _sc_hist(dst_p, ones_rows, zeros_rows)
    y, dis = _tc_prep(hist2, x)
    agg2 = _sc_agg(y, src_p, dst_p, zeros_rows)
    stats = _tc_stats(agg2, y, dis, W)
    out = _tc_final(stats, agg2, y, dis, x, W, proj_W,
                    gamma.reshape(1, COUT), beta.reshape(1, COUT),
                    proj_b.reshape(1, COUT))
    return out

# --- scband reference (transcript-rebuilt; emitter-appended) ---
"""Pipeline reference for scband-res-gcnlayer-944892805200 (READ-ONLY COPY).

The authoritative reference and input builder live on the scoring server;
editing this copy changes nothing except your own understanding.
"""

import jax, jax.numpy as jnp
import numpy as np

N_NODES = 10000
N_EDGES = 320000
IN_CH = 128
OUT_CH = 256
EPS = 1e-5


def setup_inputs(seed: int = 0) -> dict:
    key = jax.random.key(seed)
    k_x, k_e, k_w, k_b, k_pw, k_pb = jax.random.split(key, 6)
    x = jax.random.normal(k_x, (N_NODES, IN_CH), dtype=jnp.float32)
    edge_index = jax.random.randint(k_e, (2, N_EDGES), 0, N_NODES, dtype=jnp.int64)
    # GCNConv weight (glorot-ish) and bias
    W = jax.random.normal(k_w, (IN_CH, OUT_CH), dtype=jnp.float32) * (1.0 / np.sqrt(IN_CH))
    b = jnp.zeros((OUT_CH,), dtype=jnp.float32)
    # BatchNorm1d params
    gamma = jnp.ones((OUT_CH,), dtype=jnp.float32)
    beta = jnp.zeros((OUT_CH,), dtype=jnp.float32)
    # Projection linear (in_channels != out_channels)
    proj_W = jax.random.normal(k_pw, (OUT_CH, IN_CH), dtype=jnp.float32) * (1.0 / np.sqrt(IN_CH))
    proj_b = jnp.zeros((OUT_CH,), dtype=jnp.float32)
    return {"x": x, "edge_index": edge_index, "W": W, "b": b, "gamma": gamma, "beta": beta, "proj_W": proj_W, "proj_b": proj_b}


def _gcn_conv(x, edge_index, W, b):
    N = x.shape[0]
    src = edge_index[0]
    dst = edge_index[1]
    # add self loops
    loop = jnp.arange(N, dtype=src.dtype)
    src = jnp.concatenate([src, loop])
    dst = jnp.concatenate([dst, loop])
    # symmetric normalization D^{-1/2} A_hat D^{-1/2}
    ones = jnp.ones_like(src, dtype=x.dtype)
    deg = jax.ops.segment_sum(ones, dst, num_segments=N)
    deg_inv_sqrt = jnp.where(deg > 0, deg ** -0.5, 0.0)
    norm = deg_inv_sqrt[src] * deg_inv_sqrt[dst]
    h = x @ W
    msg = h[src] * norm[:, None]
    out = jax.ops.segment_sum(msg, dst, num_segments=N)
    return out + b


def _batch_norm(x, gamma, beta):
    mean = jnp.mean(x, axis=0)
    var = jnp.var(x, axis=0)
    xhat = (x - mean) / jnp.sqrt(var + EPS)
    return xhat * gamma + beta


def reference(x, edge_index, W, b, gamma, beta, proj_W, proj_b):
    identity = x
    out = _gcn_conv(x, edge_index, W, b)
    out = _batch_norm(out, gamma, beta)
    identity = identity @ proj_W.T + proj_b
    out = out + identity
    out = jax.nn.relu(out)
    return out

if __name__ == "__main__":
    import jax
    _d = setup_inputs()
    print(jax.jit(kernel)(*tuple(_d.values())))

</pallas_src>

<mosaic_0001>
#map = affine_map<(d0, d1) -> (0, 0)>
#map1 = affine_map<(d0, d1) -> (0, 0, 0)>
module attributes {stable_mosaic.version = 14 : i64} {
  func.func @_sc_agg(%arg0: i32, %arg1: i32, %arg2: memref<10000x128xf32, #tpu.memory_space<hbm>>, %arg3: memref<32x79x128xi32, #tpu.memory_space<hbm>>, %arg4: memref<32x79x128xi32, #tpu.memory_space<hbm>>, %arg5: memref<640x128xf32, #tpu.memory_space<hbm>>, %arg6: memref<2x10240x128xf32, #tpu.memory_space<hbm>>, %arg7: memref<79x128xi32, #tpu.memory_space<vmem>>, %arg8: memref<79x128xi32, #tpu.memory_space<vmem>>, %arg9: memref<128x128xf32, #tpu.memory_space<vmem>>, %arg10: memref<10240x128xf32, #tpu.memory_space<vmem_shared>>) attributes {dimension_semantics = [#tpu.dimension_semantics<core_parallel>, #tpu.dimension_semantics<subcore_parallel>], iteration_bounds = array<i64: 2, 16>, scalar_prefetch = 0 : i64, scratch_operands = 4 : i64, tpu.core_type = #tpu.core_type<sc_vector_subcore>, window_params = [{transform_indices = #map}, {transform_indices = #map1}, {transform_indices = #map1}, {transform_indices = #map}, {transform_indices = #map1}]} {
    %mul3A = arith.constant 16 : i32
    %mul3A_0 = arith.muli %arg0, %mul3A : i32
    %add3A = arith.addi %mul3A_0, %arg1 : i32
    %mul3A_1 = arith.constant 640 : i32
    %mul3A_2 = arith.muli %arg1, %mul3A_1 : i32
    "tpu.region"() ({
      %run_scoped3A = tpu.sem_alloc : memref<!tpu.dma_semaphore, #tpu.memory_space<semaphore_mem>>
      %dma_start3A = arith.constant 0 : i32
      %dma_start3A_13 = tpu.memref_slice %arg10[%mul3A_2, %dma_start3A] : memref<10240x128xf32, #tpu.memory_space<vmem_shared>> -> memref<640x128xf32, #tpu.memory_space<vmem_shared>>
      tpu.enqueue_dma source(%arg5 : memref<640x128xf32, #tpu.memory_space<hbm>>) target(%dma_start3A_13 : memref<640x128xf32, #tpu.memory_space<vmem_shared>>) target_semaphore(%run_scoped3A : memref<!tpu.dma_semaphore, #tpu.memory_space<semaphore_mem>>)
      %dma_wait3A = arith.constant 0 : i32
      %dma_wait3A_14 = tpu.memref_slice %arg10[%mul3A_2, %dma_wait3A] : memref<10240x128xf32, #tpu.memory_space<vmem_shared>> -> memref<640x128xf32, #tpu.memory_space<vmem_shared>>
      tpu.wait_dma2 semaphore(%run_scoped3A : memref<!tpu.dma_semaphore, #tpu.memory_space<semaphore_mem>>) src(%arg5 : memref<640x128xf32, #tpu.memory_space<hbm>>) dst(%dma_wait3A_14 : memref<640x128xf32, #tpu.memory_space<vmem_shared>>)
      tpu.yield
    }) : () -> ()
    "tpu.region"() ({
      %run_scoped3A = tpu.sem_alloc : memref<!tpu.dma_semaphore, #tpu.memory_space<semaphore_mem>>
      %dma_start3A = arith.constant 0 : i32
      %dma_start3A_13 = arith.constant 0 : i32
      %dma_start3A_14 = tpu.memref_slice %arg3[%add3A, %dma_start3A, %dma_start3A_13] : memref<32x79x128xi32, #tpu.memory_space<hbm>> -> memref<1x79x128xi32, #tpu.memory_space<hbm>>
      %dma_start3A_15 = tpu.memref_squeeze %dma_start3A_14 : memref<1x79x128xi32, #tpu.memory_space<hbm>> -> memref<79x128xi32, #tpu.memory_space<hbm>>
      %dma_start3A_16 = arith.constant 0 : i32
      %dma_start3A_17 = arith.constant 0 : i32
      %dma_start3A_18 = tpu.memref_slice %arg3[%add3A, %dma_start3A_16, %dma_start3A_17] : memref<32x79x128xi32, #tpu.memory_space<hbm>> -> memref<1x79x128xi32, #tpu.memory_space<hbm>>
      %dma_start3A_19 = tpu.memref_squeeze %dma_start3A_18 : memref<1x79x128xi32, #tpu.memory_space<hbm>> -> memref<79x128xi32, #tpu.memory_space<hbm>>
      tpu.enqueue_dma source(%dma_start3A_19 : memref<79x128xi32, #tpu.memory_space<hbm>>) target(%arg7 : memref<79x128xi32, #tpu.memory_space<vmem>>) target_semaphore(%run_scoped3A : memref<!tpu.dma_semaphore, #tpu.memory_space<semaphore_mem>>)
      %dma_wait3A = arith.constant 0 : i32
      %dma_wait3A_20 = arith.constant 0 : i32
      %dma_wait3A_21 = tpu.memref_slice %arg3[%add3A, %dma_wait3A, %dma_wait3A_20] : memref<32x79x128xi32, #tpu.memory_space<hbm>> -> memref<1x79x128xi32, #tpu.memory_space<hbm>>
      %dma_wait3A_22 = tpu.memref_squeeze %dma_wait3A_21 : memref<1x79x128xi32, #tpu.memory_space<hbm>> -> memref<79x128xi32, #tpu.memory_space<hbm>>
      %dma_wait3A_23 = arith.constant 0 : i32
      %dma_wait3A_24 = arith.constant 0 : i32
      %dma_wait3A_25 = tpu.memref_slice %arg3[%add3A, %dma_wait3A_23, %dma_wait3A_24] : memref<32x79x128xi32, #tpu.memory_space<hbm>> -> memref<1x79x128xi32, #tpu.memory_space<hbm>>
      %dma_wait3A_26 = tpu.memref_squeeze %dma_wait3A_25 : memref<1x79x128xi32, #tpu.memory_space<hbm>> -> memref<79x128xi32, #tpu.memory_space<hbm>>
      tpu.wait_dma2 semaphore(%run_scoped3A : memref<!tpu.dma_semaphore, #tpu.memory_space<semaphore_mem>>) src(%dma_wait3A_26 : memref<79x128xi32, #tpu.memory_space<hbm>>) dst(%arg7 : memref<79x128xi32, #tpu.memory_space<vmem>>)
      tpu.yield
    }) : () -> ()
    "tpu.region"() ({
      %run_scoped3A = tpu.sem_alloc : memref<!tpu.dma_semaphore, #tpu.memory_space<semaphore_mem>>
      %dma_start3A = arith.constant 0 : i32
      %dma_start3A_13 = arith.constant 0 : i32
      %dma_start3A_14 = tpu.memref_slice %arg4[%add3A, %dma_start3A, %dma_start3A_13] : memref<32x79x128xi32, #tpu.memory_space<hbm>> -> memref<1x79x128xi32, #tpu.memory_space<hbm>>
      %dma_start3A_15 = tpu.memref_squeeze %dma_start3A_14 : memref<1x79x128xi32, #tpu.memory_space<hbm>> -> memref<79x128xi32, #tpu.memory_space<hbm>>
      %dma_start3A_16 = arith.constant 0 : i32
      %dma_start3A_17 = arith.constant 0 : i32
      %dma_start3A_18 = tpu.memref_slice %arg4[%add3A, %dma_start3A_16, %dma_start3A_17] : memref<32x79x128xi32, #tpu.memory_space<hbm>> -> memref<1x79x128xi32, #tpu.memory_space<hbm>>
      %dma_start3A_19 = tpu.memref_squeeze %dma_start3A_18 : memref<1x79x128xi32, #tpu.memory_space<hbm>> -> memref<79x128xi32, #tpu.memory_space<hbm>>
      tpu.enqueue_dma source(%dma_start3A_19 : memref<79x128xi32, #tpu.memory_space<hbm>>) target(%arg8 : memref<79x128xi32, #tpu.memory_space<vmem>>) target_semaphore(%run_scoped3A : memref<!tpu.dma_semaphore, #tpu.memory_space<semaphore_mem>>)
      %dma_wait3A = arith.constant 0 : i32
      %dma_wait3A_20 = arith.constant 0 : i32
      %dma_wait3A_21 = tpu.memref_slice %arg4[%add3A, %dma_wait3A, %dma_wait3A_20] : memref<32x79x128xi32, #tpu.memory_space<hbm>> -> memref<1x79x128xi32, #tpu.memory_space<hbm>>
      %dma_wait3A_22 = tpu.memref_squeeze %dma_wait3A_21 : memref<1x79x128xi32, #tpu.memory_space<hbm>> -> memref<79x128xi32, #tpu.memory_space<hbm>>
      %dma_wait3A_23 = arith.constant 0 : i32
      %dma_wait3A_24 = arith.constant 0 : i32
      %dma_wait3A_25 = tpu.memref_slice %arg4[%add3A, %dma_wait3A_23, %dma_wait3A_24] : memref<32x79x128xi32, #tpu.memory_space<hbm>> -> memref<1x79x128xi32, #tpu.memory_space<hbm>>
      %dma_wait3A_26 = tpu.memref_squeeze %dma_wait3A_25 : memref<1x79x128xi32, #tpu.memory_space<hbm>> -> memref<79x128xi32, #tpu.memory_space<hbm>>
      tpu.wait_dma2 semaphore(%run_scoped3A : memref<!tpu.dma_semaphore, #tpu.memory_space<semaphore_mem>>) src(%dma_wait3A_26 : memref<79x128xi32, #tpu.memory_space<hbm>>) dst(%arg8 : memref<79x128xi32, #tpu.memory_space<vmem>>)
      tpu.yield
    }) : () -> ()
    %barrier3A = arith.constant 0 : index
    tpu.barrier barrier_id(%barrier3A)
    %scan3A = arith.constant 0 : i32
    %scan3A_3 = arith.constant 0 : i32
    %scan3A_4 = arith.constant 79 : i32
    %scan3A_5 = arith.addi %scan3A_3, %scan3A_4 : i32
    %scan3A_6 = arith.constant 1 : i32
    scf.for %scan3A_13 = %scan3A_3 to %scan3A_5 step %scan3A_6  : i32 {
      "tpu.region"() ({
        %run_scoped3A = tpu.sem_alloc : memref<!tpu.dma_semaphore, #tpu.memory_space<semaphore_mem>>
        %dma_start3A = arith.constant 0 : i32
        %dma_start3A_14 = tpu.memref_slice %arg7[%scan3A_13, %dma_start3A] : memref<79x128xi32, #tpu.memory_space<vmem>> -> memref<1x128xi32, #tpu.memory_space<vmem>>
        %dma_start3A_15 = tpu.memref_squeeze %dma_start3A_14 : memref<1x128xi32, #tpu.memory_space<vmem>> -> memref<128xi32, #tpu.memory_space<vmem>>
        %dma_start3A_16 = arith.constant 0 : i32
        %dma_start3A_17 = arith.constant 0 : i32
        %dma_start3A_18 = tpu.memref_slice %arg2[%dma_start3A_16, %dma_start3A_17] : memref<10000x128xf32, #tpu.memory_space<hbm>> -> memref<10000x128xf32, #tpu.memory_space<hbm>>
        tpu.enqueue_indirect_dma source(%dma_start3A_18 : memref<10000x128xf32, #tpu.memory_space<hbm>>) target(%arg9 : memref<128x128xf32, #tpu.memory_space<vmem>>) offsets(%dma_start3A_15 : memref<128xi32, #tpu.memory_space<vmem>>) semaphore(%run_scoped3A : memref<!tpu.dma_semaphore, #tpu.memory_space<semaphore_mem>>)
        %dma_wait3A = arith.constant 0 : i32
        %dma_wait3A_19 = tpu.memref_slice %arg7[%scan3A_13, %dma_wait3A] : memref<79x128xi32, #tpu.memory_space<vmem>> -> memref<1x128xi32, #tpu.memory_space<vmem>>
        %dma_wait3A_20 = tpu.memref_squeeze %dma_wait3A_19 : memref<1x128xi32, #tpu.memory_space<vmem>> -> memref<128xi32, #tpu.memory_space<vmem>>
        %dma_wait3A_21 = arith.constant 0 : i32
        %dma_wait3A_22 = arith.constant 0 : i32
        %dma_wait3A_23 = tpu.memref_slice %arg2[%dma_wait3A_21, %dma_wait3A_22] : memref<10000x128xf32, #tpu.memory_space<hbm>> -> memref<10000x128xf32, #tpu.memory_space<hbm>>
        tpu.wait_indirect_dma semaphore(%run_scoped3A : memref<!tpu.dma_semaphore, #tpu.memory_space<semaphore_mem>>) src(%dma_wait3A_23 : memref<10000x128xf32, #tpu.memory_space<hbm>>) dst(%arg9 : memref<128x128xf32, #tpu.memory_space<vmem>>)
        tpu.yield
      }) : () -> ()
      "tpu.region"() ({
        %run_scoped3A = tpu.sem_alloc : memref<!tpu.dma_semaphore, #tpu.memory_space<semaphore_mem>>
        %dma_start3A = arith.constant 0 : i32
        %dma_start3A_14 = tpu.memref_slice %arg8[%scan3A_13, %dma_start3A] : memref<79x128xi32, #tpu.memory_space<vmem>> -> memref<1x128xi32, #tpu.memory_space<vmem>>
        %dma_start3A_15 = tpu.memref_squeeze %dma_start3A_14 : memref<1x128xi32, #tpu.memory_space<vmem>> -> memref<128xi32, #tpu.memory_space<vmem>>
        %dma_start3A_16 = arith.constant 0 : i32
        %dma_start3A_17 = arith.constant 0 : i32
        %dma_start3A_18 = tpu.memref_slice %arg10[%dma_start3A_16, %dma_start3A_17] : memref<10240x128xf32, #tpu.memory_space<vmem_shared>> -> memref<10240x128xf32, #tpu.memory_space<vmem_shared>>
        tpu.enqueue_indirect_dma source(%arg9 : memref<128x128xf32, #tpu.memory_space<vmem>>) target(%dma_start3A_18 : memref<10240x128xf32, #tpu.memory_space<vmem_shared>>) offsets(%dma_start3A_15 : memref<128xi32, #tpu.memory_space<vmem>>) semaphore(%run_scoped3A : memref<!tpu.dma_semaphore, #tpu.memory_space<semaphore_mem>>) {add = true}
        %dma_wait3A = arith.constant 0 : i32
        %dma_wait3A_19 = tpu.memref_slice %arg8[%scan3A_13, %dma_wait3A] : memref<79x128xi32, #tpu.memory_space<vmem>> -> memref<1x128xi32, #tpu.memory_space<vmem>>
        %dma_wait3A_20 = tpu.memref_squeeze %dma_wait3A_19 : memref<1x128xi32, #tpu.memory_space<vmem>> -> memref<128xi32, #tpu.memory_space<vmem>>
        %dma_wait3A_21 = arith.constant 0 : i32
        %dma_wait3A_22 = arith.constant 0 : i32
        %dma_wait3A_23 = tpu.memref_slice %arg10[%dma_wait3A_21, %dma_wait3A_22] : memref<10240x128xf32, #tpu.memory_space<vmem_shared>> -> memref<10240x128xf32, #tpu.memory_space<vmem_shared>>
        tpu.wait_indirect_dma semaphore(%run_scoped3A : memref<!tpu.dma_semaphore, #tpu.memory_space<semaphore_mem>>) src(%arg9 : memref<128x128xf32, #tpu.memory_space<vmem>>) dst(%dma_wait3A_23 : memref<10240x128xf32, #tpu.memory_space<vmem_shared>>)
        tpu.yield
      }) : () -> ()
    }
    %scan3A_7 = arith.constant 79 : i32
    %barrier3A_8 = arith.constant 0 : index
    tpu.barrier barrier_id(%barrier3A_8)
    %mul3A_9 = arith.constant 640 : i32
    %mul3A_10 = arith.muli %arg1, %mul3A_9 : i32
    %mul3A_11 = arith.constant 640 : i32
    %mul3A_12 = arith.muli %arg1, %mul3A_11 : i32
    "tpu.region"() ({
      %run_scoped3A = tpu.sem_alloc : memref<!tpu.dma_semaphore, #tpu.memory_space<semaphore_mem>>
      %dma_start3A = arith.constant 0 : i32
      %dma_start3A_13 = tpu.memref_slice %arg6[%arg0, %mul3A_12, %dma_start3A] : memref<2x10240x128xf32, #tpu.memory_space<hbm>> -> memref<1x640x128xf32, #tpu.memory_space<hbm>>
      %dma_start3A_14 = tpu.memref_squeeze %dma_start3A_13 : memref<1x640x128xf32, #tpu.memory_space<hbm>> -> memref<640x128xf32, #tpu.memory_space<hbm>>
      %dma_start3A_15 = arith.constant 0 : i32
      %dma_start3A_16 = tpu.memref_slice %arg10[%mul3A_10, %dma_start3A_15] : memref<10240x128xf32, #tpu.memory_space<vmem_shared>> -> memref<640x128xf32, #tpu.memory_space<vmem_shared>>
      tpu.enqueue_dma source(%dma_start3A_16 : memref<640x128xf32, #tpu.memory_space<vmem_shared>>) target(%dma_start3A_14 : memref<640x128xf32, #tpu.memory_space<hbm>>) target_semaphore(%run_scoped3A : memref<!tpu.dma_semaphore, #tpu.memory_space<semaphore_mem>>)
      %dma_wait3A = arith.constant 0 : i32
      %dma_wait3A_17 = tpu.memref_slice %arg6[%arg0, %mul3A_12, %dma_wait3A] : memref<2x10240x128xf32, #tpu.memory_space<hbm>> -> memref<1x640x128xf32, #tpu.memory_space<hbm>>
      %dma_wait3A_18 = tpu.memref_squeeze %dma_wait3A_17 : memref<1x640x128xf32, #tpu.memory_space<hbm>> -> memref<640x128xf32, #tpu.memory_space<hbm>>
      %dma_wait3A_19 = arith.constant 0 : i32
      %dma_wait3A_20 = tpu.memref_slice %arg10[%mul3A_10, %dma_wait3A_19] : memref<10240x128xf32, #tpu.memory_space<vmem_shared>> -> memref<640x128xf32, #tpu.memory_space<vmem_shared>>
      tpu.wait_dma2 semaphore(%run_scoped3A : memref<!tpu.dma_semaphore, #tpu.memory_space<semaphore_mem>>) src(%dma_wait3A_20 : memref<640x128xf32, #tpu.memory_space<vmem_shared>>) dst(%dma_wait3A_18 : memref<640x128xf32, #tpu.memory_space<hbm>>)
      tpu.yield
    }) : () -> ()
    return
  }
}

#map = affine_map<(d0, d1) -> (0, 0, 0)>
#map1 = affine_map<(d0, d1) -> (0, 0)>
module attributes {stable_mosaic.version = 14 : i64} {
  func.func @_sc_hist(%arg0: i32, %arg1: i32, %arg2: memref<32x79x128xi32, #tpu.memory_space<hbm>>, %arg3: memref<128x128xf32, #tpu.memory_space<hbm>>, %arg4: memref<640x128xf32, #tpu.memory_space<hbm>>, %arg5: memref<2x10240x128xf32, #tpu.memory_space<hbm>>, %arg6: memref<79x128xi32, #tpu.memory_space<vmem>>, %arg7: memref<128x128xf32, #tpu.memory_space<vmem>>, %arg8: memref<10240x128xf32, #tpu.memory_space<vmem_shared>>) attributes {dimension_semantics = [#tpu.dimension_semantics<core_parallel>, #tpu.dimension_semantics<subcore_parallel>], iteration_bounds = array<i64: 2, 16>, scalar_prefetch = 0 : i64, scratch_operands = 3 : i64, tpu.core_type = #tpu.core_type<sc_vector_subcore>, window_params = [{transform_indices = #map}, {transform_indices = #map1}, {transform_indices = #map1}, {transform_indices = #map}]} {
    %mul3A = arith.constant 16 : i32
    %mul3A_0 = arith.muli %arg0, %mul3A : i32
    %add3A = arith.addi %mul3A_0, %arg1 : i32
    %mul3A_1 = arith.constant 640 : i32
    %mul3A_2 = arith.muli %arg1, %mul3A_1 : i32
    "tpu.region"() ({
      %run_scoped3A = tpu.sem_alloc : memref<!tpu.dma_semaphore, #tpu.memory_space<semaphore_mem>>
      %dma_start3A = arith.constant 0 : i32
      %dma_start3A_13 = tpu.memref_slice %arg8[%mul3A_2, %dma_start3A] : memref<10240x128xf32, #tpu.memory_space<vmem_shared>> -> memref<640x128xf32, #tpu.memory_space<vmem_shared>>
      tpu.enqueue_dma source(%arg4 : memref<640x128xf32, #tpu.memory_space<hbm>>) target(%dma_start3A_13 : memref<640x128xf32, #tpu.memory_space<vmem_shared>>) target_semaphore(%run_scoped3A : memref<!tpu.dma_semaphore, #tpu.memory_space<semaphore_mem>>)
      %dma_wait3A = arith.constant 0 : i32
      %dma_wait3A_14 = tpu.memref_slice %arg8[%mul3A_2, %dma_wait3A] : memref<10240x128xf32, #tpu.memory_space<vmem_shared>> -> memref<640x128xf32, #tpu.memory_space<vmem_shared>>
      tpu.wait_dma2 semaphore(%run_scoped3A : memref<!tpu.dma_semaphore, #tpu.memory_space<semaphore_mem>>) src(%arg4 : memref<640x128xf32, #tpu.memory_space<hbm>>) dst(%dma_wait3A_14 : memref<640x128xf32, #tpu.memory_space<vmem_shared>>)
      tpu.yield
    }) : () -> ()
    "tpu.region"() ({
      %run_scoped3A = tpu.sem_alloc : memref<!tpu.dma_semaphore, #tpu.memory_space<semaphore_mem>>
      %dma_start3A = arith.constant 0 : i32
      %dma_start3A_13 = arith.constant 0 : i32
      %dma_start3A_14 = tpu.memref_slice %arg2[%add3A, %dma_start3A, %dma_start3A_13] : memref<32x79x128xi32, #tpu.memory_space<hbm>> -> memref<1x79x128xi32, #tpu.memory_space<hbm>>
      %dma_start3A_15 = tpu.memref_squeeze %dma_start3A_14 : memref<1x79x128xi32, #tpu.memory_space<hbm>> -> memref<79x128xi32, #tpu.memory_space<hbm>>
      %dma_start3A_16 = arith.constant 0 : i32
      %dma_start3A_17 = arith.constant 0 : i32
      %dma_start3A_18 = tpu.memref_slice %arg2[%add3A, %dma_start3A_16, %dma_start3A_17] : memref<32x79x128xi32, #tpu.memory_space<hbm>> -> memref<1x79x128xi32, #tpu.memory_space<hbm>>
      %dma_start3A_19 = tpu.memref_squeeze %dma_start3A_18 : memref<1x79x128xi32, #tpu.memory_space<hbm>> -> memref<79x128xi32, #tpu.memory_space<hbm>>
      tpu.enqueue_dma source(%dma_start3A_19 : memref<79x128xi32, #tpu.memory_space<hbm>>) target(%arg6 : memref<79x128xi32, #tpu.memory_space<vmem>>) target_semaphore(%run_scoped3A : memref<!tpu.dma_semaphore, #tpu.memory_space<semaphore_mem>>)
      %dma_wait3A = arith.constant 0 : i32
      %dma_wait3A_20 = arith.constant 0 : i32
      %dma_wait3A_21 = tpu.memref_slice %arg2[%add3A, %dma_wait3A, %dma_wait3A_20] : memref<32x79x128xi32, #tpu.memory_space<hbm>> -> memref<1x79x128xi32, #tpu.memory_space<hbm>>
      %dma_wait3A_22 = tpu.memref_squeeze %dma_wait3A_21 : memref<1x79x128xi32, #tpu.memory_space<hbm>> -> memref<79x128xi32, #tpu.memory_space<hbm>>
      %dma_wait3A_23 = arith.constant 0 : i32
      %dma_wait3A_24 = arith.constant 0 : i32
      %dma_wait3A_25 = tpu.memref_slice %arg2[%add3A, %dma_wait3A_23, %dma_wait3A_24] : memref<32x79x128xi32, #tpu.memory_space<hbm>> -> memref<1x79x128xi32, #tpu.memory_space<hbm>>
      %dma_wait3A_26 = tpu.memref_squeeze %dma_wait3A_25 : memref<1x79x128xi32, #tpu.memory_space<hbm>> -> memref<79x128xi32, #tpu.memory_space<hbm>>
      tpu.wait_dma2 semaphore(%run_scoped3A : memref<!tpu.dma_semaphore, #tpu.memory_space<semaphore_mem>>) src(%dma_wait3A_26 : memref<79x128xi32, #tpu.memory_space<hbm>>) dst(%arg6 : memref<79x128xi32, #tpu.memory_space<vmem>>)
      tpu.yield
    }) : () -> ()
    "tpu.region"() ({
      %run_scoped3A = tpu.sem_alloc : memref<!tpu.dma_semaphore, #tpu.memory_space<semaphore_mem>>
      tpu.enqueue_dma source(%arg3 : memref<128x128xf32, #tpu.memory_space<hbm>>) target(%arg7 : memref<128x128xf32, #tpu.memory_space<vmem>>) target_semaphore(%run_scoped3A : memref<!tpu.dma_semaphore, #tpu.memory_space<semaphore_mem>>)
      tpu.wait_dma2 semaphore(%run_scoped3A : memref<!tpu.dma_semaphore, #tpu.memory_space<semaphore_mem>>) src(%arg3 : memref<128x128xf32, #tpu.memory_space<hbm>>) dst(%arg7 : memref<128x128xf32, #tpu.memory_space<vmem>>)
      tpu.yield
    }) : () -> ()
    %barrier3A = arith.constant 0 : index
    tpu.barrier barrier_id(%barrier3A)
    %scan3A = arith.constant 0 : i32
    %scan3A_3 = arith.constant 0 : i32
    %scan3A_4 = arith.constant 79 : i32
    %scan3A_5 = arith.addi %scan3A_3, %scan3A_4 : i32
    %scan3A_6 = arith.constant 1 : i32
    scf.for %scan3A_13 = %scan3A_3 to %scan3A_5 step %scan3A_6  : i32 {
      "tpu.region"() ({
        %run_scoped3A = tpu.sem_alloc : memref<!tpu.dma_semaphore, #tpu.memory_space<semaphore_mem>>
        %dma_start3A = arith.constant 0 : i32
        %dma_start3A_14 = tpu.memref_slice %arg6[%scan3A_13, %dma_start3A] : memref<79x128xi32, #tpu.memory_space<vmem>> -> memref<1x128xi32, #tpu.memory_space<vmem>>
        %dma_start3A_15 = tpu.memref_squeeze %dma_start3A_14 : memref<1x128xi32, #tpu.memory_space<vmem>> -> memref<128xi32, #tpu.memory_space<vmem>>
        %dma_start3A_16 = arith.constant 0 : i32
        %dma_start3A_17 = arith.constant 0 : i32
        %dma_start3A_18 = tpu.memref_slice %arg8[%dma_start3A_16, %dma_start3A_17] : memref<10240x128xf32, #tpu.memory_space<vmem_shared>> -> memref<10240x128xf32, #tpu.memory_space<vmem_shared>>
        tpu.enqueue_indirect_dma source(%arg7 : memref<128x128xf32, #tpu.memory_space<vmem>>) target(%dma_start3A_18 : memref<10240x128xf32, #tpu.memory_space<vmem_shared>>) offsets(%dma_start3A_15 : memref<128xi32, #tpu.memory_space<vmem>>) semaphore(%run_scoped3A : memref<!tpu.dma_semaphore, #tpu.memory_space<semaphore_mem>>) {add = true}
        %dma_wait3A = arith.constant 0 : i32
        %dma_wait3A_19 = tpu.memref_slice %arg6[%scan3A_13, %dma_wait3A] : memref<79x128xi32, #tpu.memory_space<vmem>> -> memref<1x128xi32, #tpu.memory_space<vmem>>
        %dma_wait3A_20 = tpu.memref_squeeze %dma_wait3A_19 : memref<1x128xi32, #tpu.memory_space<vmem>> -> memref<128xi32, #tpu.memory_space<vmem>>
        %dma_wait3A_21 = arith.constant 0 : i32
        %dma_wait3A_22 = arith.constant 0 : i32
        %dma_wait3A_23 = tpu.memref_slice %arg8[%dma_wait3A_21, %dma_wait3A_22] : memref<10240x128xf32, #tpu.memory_space<vmem_shared>> -> memref<10240x128xf32, #tpu.memory_space<vmem_shared>>
        tpu.wait_indirect_dma semaphore(%run_scoped3A : memref<!tpu.dma_semaphore, #tpu.memory_space<semaphore_mem>>) src(%arg7 : memref<128x128xf32, #tpu.memory_space<vmem>>) dst(%dma_wait3A_23 : memref<10240x128xf32, #tpu.memory_space<vmem_shared>>)
        tpu.yield
      }) : () -> ()
    }
    %scan3A_7 = arith.constant 79 : i32
    %barrier3A_8 = arith.constant 0 : index
    tpu.barrier barrier_id(%barrier3A_8)
    %mul3A_9 = arith.constant 640 : i32
    %mul3A_10 = arith.muli %arg1, %mul3A_9 : i32
    %mul3A_11 = arith.constant 640 : i32
    %mul3A_12 = arith.muli %arg1, %mul3A_11 : i32
    "tpu.region"() ({
      %run_scoped3A = tpu.sem_alloc : memref<!tpu.dma_semaphore, #tpu.memory_space<semaphore_mem>>
      %dma_start3A = arith.constant 0 : i32
      %dma_start3A_13 = tpu.memref_slice %arg5[%arg0, %mul3A_12, %dma_start3A] : memref<2x10240x128xf32, #tpu.memory_space<hbm>> -> memref<1x640x128xf32, #tpu.memory_space<hbm>>
      %dma_start3A_14 = tpu.memref_squeeze %dma_start3A_13 : memref<1x640x128xf32, #tpu.memory_space<hbm>> -> memref<640x128xf32, #tpu.memory_space<hbm>>
      %dma_start3A_15 = arith.constant 0 : i32
      %dma_start3A_16 = tpu.memref_slice %arg8[%mul3A_10, %dma_start3A_15] : memref<10240x128xf32, #tpu.memory_space<vmem_shared>> -> memref<640x128xf32, #tpu.memory_space<vmem_shared>>
      tpu.enqueue_dma source(%dma_start3A_16 : memref<640x128xf32, #tpu.memory_space<vmem_shared>>) target(%dma_start3A_14 : memref<640x128xf32, #tpu.memory_space<hbm>>) target_semaphore(%run_scoped3A : memref<!tpu.dma_semaphore, #tpu.memory_space<semaphore_mem>>)
      %dma_wait3A = arith.constant 0 : i32
      %dma_wait3A_17 = tpu.memref_slice %arg5[%arg0, %mul3A_12, %dma_wait3A] : memref<2x10240x128xf32, #tpu.memory_space<hbm>> -> memref<1x640x128xf32, #tpu.memory_space<hbm>>
      %dma_wait3A_18 = tpu.memref_squeeze %dma_wait3A_17 : memref<1x640x128xf32, #tpu.memory_space<hbm>> -> memref<640x128xf32, #tpu.memory_space<hbm>>
      %dma_wait3A_19 = arith.constant 0 : i32
      %dma_wait3A_20 = tpu.memref_slice %arg8[%mul3A_10, %dma_wait3A_19] : memref<10240x128xf32, #tpu.memory_space<vmem_shared>> -> memref<640x128xf32, #tpu.memory_space<vmem_shared>>
      tpu.wait_dma2 semaphore(%run_scoped3A : memref<!tpu.dma_semaphore, #tpu.memory_space<semaphore_mem>>) src(%dma_wait3A_20 : memref<640x128xf32, #tpu.memory_space<vmem_shared>>) dst(%dma_wait3A_18 : memref<640x128xf32, #tpu.memory_space<hbm>>)
      tpu.yield
    }) : () -> ()
    return
  }
}

module attributes {stable_mosaic.version = 14 : i64} {
  func.func @_tc_prep_body(%arg0: i32, %arg1: memref<2x1000x128xf32, #tpu.memory_space<vmem>>, %arg2: memref<1000x128xf32, #tpu.memory_space<vmem>>, %arg3: memref<1000x128xf32, #tpu.memory_space<vmem>>, %arg4: memref<1000x1xf32, #tpu.memory_space<vmem>>) attributes {dimension_semantics = [#tpu.dimension_semantics<arbitrary>], iteration_bounds = array<i64: 10>, scalar_prefetch = 0 : i64, scratch_operands = 0 : i64, tpu.core_type = #tpu.core_type<tc>, window_params = [{transform_indices = @transform_0, window_bounds = array<i64: 2, 1000, 128>}, {transform_indices = @transform_1, window_bounds = array<i64: 1000, 128>}, {transform_indices = @transform_2, window_bounds = array<i64: 1000, 128>}, {transform_indices = @transform_3, window_bounds = array<i64: 1000, 1>}]} {
    %get3A = arith.constant 0 : index
    %get3A_0 = arith.constant 0 : index
    %get3A_1 = arith.constant 0 : index
    %get3A_2 = vector.load %arg1[%get3A, %get3A_0, %get3A_1] : memref<2x1000x128xf32, #tpu.memory_space<vmem>>, vector<2x1000x128xf32>
    %slice3A = vector.extract_strided_slice %get3A_2 {offsets = [0, 0, 0], sizes = [1, 1000, 1], strides = [1, 1, 1]} : vector<2x1000x128xf32> to vector<1x1000x1xf32>
    %squeeze3A = vector.shape_cast %slice3A : vector<1x1000x1xf32> to vector<1000x1xf32>
    %slice3A_3 = vector.extract_strided_slice %get3A_2 {offsets = [1, 0, 0], sizes = [1, 1000, 1], strides = [1, 1, 1]} : vector<2x1000x128xf32> to vector<1x1000x1xf32>
    %squeeze3A_4 = vector.shape_cast %slice3A_3 : vector<1x1000x1xf32> to vector<1000x1xf32>
    %add3A = arith.addf %squeeze3A, %squeeze3A_4 : vector<1000x1xf32>
    %add3A_5 = arith.constant 1.000000e+00 : f32
    %add3A_6 = vector.broadcast %add3A_5 : f32 to vector<1000x1xf32>
    %add3A_7 = arith.addf %add3A, %add3A_6 : vector<1000x1xf32>
    %rsqrt3A = math.rsqrt %add3A_7 : vector<1000x1xf32>
    %get3A_8 = arith.constant 0 : index
    %get3A_9 = arith.constant 0 : index
    %get3A_10 = vector.load %arg2[%get3A_8, %get3A_9] : memref<1000x128xf32, #tpu.memory_space<vmem>>, vector<1000x128xf32>
    %mul3A = vector.broadcast %rsqrt3A : vector<1000x1xf32> to vector<1000x128xf32>
    %mul3A_11 = arith.mulf %get3A_10, %mul3A : vector<1000x128xf32>
    %swap3A = arith.constant 0 : index
    %swap3A_12 = arith.constant 0 : index
    %swap3A_13 = vector.load %arg3[%swap3A, %swap3A_12] : memref<1000x128xf32, #tpu.memory_space<vmem>>, vector<1000x128xf32>
    tpu.vector_store %arg3[%swap3A, %swap3A_12], %mul3A_11 {strides = array<i32>} : memref<1000x128xf32, #tpu.memory_space<vmem>>, vector<1000x128xf32>,
    %swap3A_14 = arith.constant 0 : index
    %swap3A_15 = arith.constant 0 : index
    %swap3A_16 = vector.load %arg4[%swap3A_14, %swap3A_15] : memref<1000x1xf32, #tpu.memory_space<vmem>>, vector<1000x1xf32>
    tpu.vector_store %arg4[%swap3A_14, %swap3A_15], %rsqrt3A {strides = array<i32>} : memref<1000x1xf32, #tpu.memory_space<vmem>>, vector<1000x1xf32>,
    return
  }
  func.func @transform_0(%arg0: i32) -> (i32, i32, i32) {
    %c0_i32 = arith.constant 0 : i32
    %c0_i32_0 = arith.constant 0 : i32
    %c0_i32_1 = arith.constant 0 : i32
    return %c0_i32, %arg0, %c0_i32_0 : i32, i32, i32
  }
  func.func @transform_1(%arg0: i32) -> (i32, i32) {
    %c0_i32 = arith.constant 0 : i32
    %c0_i32_0 = arith.constant 0 : i32
    return %arg0, %c0_i32 : i32, i32
  }
  func.func @transform_2(%arg0: i32) -> (i32, i32) {
    %c0_i32 = arith.constant 0 : i32
    %c0_i32_0 = arith.constant 0 : i32
    return %arg0, %c0_i32 : i32, i32
  }
  func.func @transform_3(%arg0: i32) -> (i32, i32) {
    %c0_i32 = arith.constant 0 : i32
    %c0_i32_0 = arith.constant 0 : i32
    return %arg0, %c0_i32 : i32, i32
  }
}

module attributes {stable_mosaic.version = 14 : i64} {
  func.func @_tc_stats_body(%arg0: i32, %arg1: memref<2x1000x128xf32, #tpu.memory_space<vmem>>, %arg2: memref<1000x128xf32, #tpu.memory_space<vmem>>, %arg3: memref<1000x1xf32, #tpu.memory_space<vmem>>, %arg4: memref<128x256xf32, #tpu.memory_space<vmem>>, %arg5: memref<2x256xf32, #tpu.memory_space<vmem>>) attributes {dimension_semantics = [#tpu.dimension_semantics<arbitrary>], iteration_bounds = array<i64: 10>, scalar_prefetch = 0 : i64, scratch_operands = 0 : i64, tpu.core_type = #tpu.core_type<tc>, window_params = [{transform_indices = @transform_0, window_bounds = array<i64: 2, 1000, 128>}, {transform_indices = @transform_1, window_bounds = array<i64: 1000, 128>}, {transform_indices = @transform_2, window_bounds = array<i64: 1000, 1>}, {pipeline_mode = #tpu.pipeline_mode<synchronous>, transform_indices = @transform_3, window_bounds = array<i64: 128, 256>}, {pipeline_mode = #tpu.pipeline_mode<synchronous>, transform_indices = @transform_4, window_bounds = array<i64: 2, 256>}]} {
    %get3A = arith.constant 0 : index
    %get3A_0 = arith.constant 0 : index
    %get3A_1 = arith.constant 0 : index
    %get3A_2 = vector.load %arg1[%get3A, %get3A_0, %get3A_1] : memref<2x1000x128xf32, #tpu.memory_space<vmem>>, vector<1x1000x128xf32>
    %get3A_3 = vector.shape_cast %get3A_2 : vector<1x1000x128xf32> to vector<1000x128xf32>
    %get3A_4 = arith.constant 1 : index
    %get3A_5 = arith.constant 0 : index
    %get3A_6 = arith.constant 0 : index
    %get3A_7 = vector.load %arg1[%get3A_4, %get3A_5, %get3A_6] : memref<2x1000x128xf32, #tpu.memory_space<vmem>>, vector<1x1000x128xf32>
    %get3A_8 = vector.shape_cast %get3A_7 : vector<1x1000x128xf32> to vector<1000x128xf32>
    %add3A = arith.addf %get3A_3, %get3A_8 : vector<1000x128xf32>
    %get3A_9 = arith.constant 0 : index
    %get3A_10 = arith.constant 0 : index
    %get3A_11 = vector.load %arg2[%get3A_9, %get3A_10] : memref<1000x128xf32, #tpu.memory_space<vmem>>, vector<1000x128xf32>
    %add3A_12 = arith.addf %add3A, %get3A_11 : vector<1000x128xf32>
    %get3A_13 = arith.constant 0 : index
    %get3A_14 = arith.constant 0 : index
    %get3A_15 = vector.load %arg3[%get3A_13, %get3A_14] : memref<1000x1xf32, #tpu.memory_space<vmem>>, vector<1000x1xf32>
    %mul3A = vector.broadcast %get3A_15 : vector<1000x1xf32> to vector<1000x128xf32>
    %mul3A_16 = arith.mulf %add3A_12, %mul3A : vector<1000x128xf32>
    %get3A_17 = arith.constant 0 : index
    %get3A_18 = arith.constant 0 : index
    %get3A_19 = vector.load %arg4[%get3A_17, %get3A_18] : memref<128x256xf32, #tpu.memory_space<vmem>>, vector<128x256xf32>
    %dot_general3A = arith.constant dense<0.000000e+00> : vector<1000x256xf32>
    %dot_general3A_20 = tpu.matmul %mul3A_16, %get3A_19, %dot_general3A {dimension_numbers = #tpu.dot_dimension_numbers<[1], [0], [0], [1], [0, 0, 1, 1], [], []>, transpose_lhs_hint = false} : vector<1000x128xf32>, vector<128x256xf32>, vector<1000x256xf32> -> vector<1000x256xf32>
    %reduce_sum3A = arith.constant dense<0.000000e+00> : vector<256xf32>
    %reduce_sum3A_21 = vector.multi_reduction <add>, %dot_general3A_20, %reduce_sum3A [0] : vector<1000x256xf32> to vector<256xf32>
    %broadcast_in_dim3A = vector.shape_cast %reduce_sum3A_21 : vector<256xf32> to vector<1x256xf32>
    %mul3A_22 = arith.mulf %dot_general3A_20, %dot_general3A_20 : vector<1000x256xf32>
    %reduce_sum3A_23 = arith.constant dense<0.000000e+00> : vector<256xf32>
    %reduce_sum3A_24 = vector.multi_reduction <add>, %mul3A_22, %reduce_sum3A_23 [0] : vector<1000x256xf32> to vector<256xf32>
    %broadcast_in_dim3A_25 = vector.shape_cast %reduce_sum3A_24 : vector<256xf32> to vector<1x256xf32>
    %eq3A = arith.constant 0 : i32
    %eq3A_26 = arith.cmpi eq, %arg0, %eq3A : i32
    %convert_element_type3A = arith.extui %eq3A_26 : i1 to i32
    %cond3A = arith.constant 0 : i32
    %cond3A_27 = arith.cmpi ne, %convert_element_type3A, %cond3A : i32
    scf.if %cond3A_27 {
      %broadcast_in_dim3A_34 = arith.constant 0.000000e+00 : f32
      %broadcast_in_dim3A_35 = vector.broadcast %broadcast_in_dim3A_34 : f32 to vector<2x256xf32>
      %swap3A_36 = arith.constant 0 : index
      %swap3A_37 = arith.constant 0 : index
      %swap3A_38 = vector.load %arg5[%swap3A_36, %swap3A_37] : memref<2x256xf32, #tpu.memory_space<vmem>>, vector<2x256xf32>
      tpu.vector_store %arg5[%swap3A_36, %swap3A_37], %broadcast_in_dim3A_35 {strides = array<i32>} : memref<2x256xf32, #tpu.memory_space<vmem>>, vector<2x256xf32>,
    } else {
    }
    %get3A_28 = arith.constant 0 : index
    %get3A_29 = arith.constant 0 : index
    %get3A_30 = vector.load %arg5[%get3A_28, %get3A_29] : memref<2x256xf32, #tpu.memory_space<vmem>>, vector<2x256xf32>
    %concatenate3A = tpu.concatenate %broadcast_in_dim3A, %broadcast_in_dim3A_25 in 0 : vector<1x256xf32>, vector<1x256xf32> -> vector<2x256xf32>
    %add3A_31 = arith.addf %get3A_30, %concatenate3A : vector<2x256xf32>
    %swap3A = arith.constant 0 : index
    %swap3A_32 = arith.constant 0 : index
    %swap3A_33 = vector.load %arg5[%swap3A, %swap3A_32] : memref<2x256xf32, #tpu.memory_space<vmem>>, vector<2x256xf32>
    tpu.vector_store %arg5[%swap3A, %swap3A_32], %add3A_31 {strides = array<i32>} : memref<2x256xf32, #tpu.memory_space<vmem>>, vector<2x256xf32>,
    return
  }
  func.func @transform_0(%arg0: i32) -> (i32, i32, i32) {
    %c0_i32 = arith.constant 0 : i32
    %c0_i32_0 = arith.constant 0 : i32
    %c0_i32_1 = arith.constant 0 : i32
    return %c0_i32, %arg0, %c0_i32_0 : i32, i32, i32
  }
  func.func @transform_1(%arg0: i32) -> (i32, i32) {
    %c0_i32 = arith.constant 0 : i32
    %c0_i32_0 = arith.constant 0 : i32
    return %arg0, %c0_i32 : i32, i32
  }
  func.func @transform_2(%arg0: i32) -> (i32, i32) {
    %c0_i32 = arith.constant 0 : i32
    %c0_i32_0 = arith.constant 0 : i32
    return %arg0, %c0_i32 : i32, i32
  }
  func.func @transform_3(%arg0: i32) -> (i32, i32) {
    %c0_i32 = arith.constant 0 : i32
    %c0_i32_0 = arith.constant 0 : i32
    %c0_i32_1 = arith.constant 0 : i32
    return %c0_i32, %c0_i32_0 : i32, i32
  }
  func.func @transform_4(%arg0: i32) -> (i32, i32) {
    %c0_i32 = arith.constant 0 : i32
    %c0_i32_0 = arith.constant 0 : i32
    %c0_i32_1 = arith.constant 0 : i32
    return %c0_i32, %c0_i32_0 : i32, i32
  }
}

module attributes {stable_mosaic.version = 14 : i64} {
  func.func @_tc_final_body(%arg0: i32, %arg1: memref<2x256xf32, #tpu.memory_space<vmem>>, %arg2: memref<2x1000x128xf32, #tpu.memory_space<vmem>>, %arg3: memref<1000x128xf32, #tpu.memory_space<vmem>>, %arg4: memref<1000x1xf32, #tpu.memory_space<vmem>>, %arg5: memref<1000x128xf32, #tpu.memory_space<vmem>>, %arg6: memref<128x256xf32, #tpu.memory_space<vmem>>, %arg7: memref<256x128xf32, #tpu.memory_space<vmem>>, %arg8: memref<1x256xf32, #tpu.memory_space<vmem>>, %arg9: memref<1x256xf32, #tpu.memory_space<vmem>>, %arg10: memref<1x256xf32, #tpu.memory_space<vmem>>, %arg11: memref<1000x256xf32, #tpu.memory_space<vmem>>) attributes {dimension_semantics = [#tpu.dimension_semantics<arbitrary>], iteration_bounds = array<i64: 10>, scalar_prefetch = 0 : i64, scratch_operands = 0 : i64, tpu.core_type = #tpu.core_type<tc>, window_params = [{pipeline_mode = #tpu.pipeline_mode<synchronous>, transform_indices = @transform_0, window_bounds = array<i64: 2, 256>}, {transform_indices = @transform_1, window_bounds = array<i64: 2, 1000, 128>}, {transform_indices = @transform_2, window_bounds = array<i64: 1000, 128>}, {transform_indices = @transform_3, window_bounds = array<i64: 1000, 1>}, {transform_indices = @transform_4, window_bounds = array<i64: 1000, 128>}, {pipeline_mode = #tpu.pipeline_mode<synchronous>, transform_indices = @transform_5, window_bounds = array<i64: 128, 256>}, {pipeline_mode = #tpu.pipeline_mode<synchronous>, transform_indices = @transform_6, window_bounds = array<i64: 256, 128>}, {pipeline_mode = #tpu.pipeline_mode<synchronous>, transform_indices = @transform_7, window_bounds = array<i64: 1, 256>}, {pipeline_mode = #tpu.pipeline_mode<synchronous>, transform_indices = @transform_8, window_bounds = array<i64: 1, 256>}, {pipeline_mode = #tpu.pipeline_mode<synchronous>, transform_indices = @transform_9, window_bounds = array<i64: 1, 256>}, {transform_indices = @transform_10, window_bounds = array<i64: 1000, 256>}]} {
    %get3A = arith.constant 0 : index
    %get3A_0 = arith.constant 0 : index
    %get3A_1 = vector.load %arg1[%get3A, %get3A_0] : memref<2x256xf32, #tpu.memory_space<vmem>>, vector<2x256xf32>
    %slice3A = vector.extract_strided_slice %get3A_1 {offsets = [0, 0], sizes = [1, 256], strides = [1, 1]} : vector<2x256xf32> to vector<1x256xf32>
    %div3A = arith.constant 1.000000e+04 : f32
    %div3A_2 = vector.broadcast %div3A : f32 to vector<1x256xf32>
    %div3A_3 = arith.divf %slice3A, %div3A_2 : vector<1x256xf32>
    %slice3A_4 = vector.extract_strided_slice %get3A_1 {offsets = [1, 0], sizes = [1, 256], strides = [1, 1]} : vector<2x256xf32> to vector<1x256xf32>
    %div3A_5 = arith.constant 1.000000e+04 : f32
    %div3A_6 = vector.broadcast %div3A_5 : f32 to vector<1x256xf32>
    %div3A_7 = arith.divf %slice3A_4, %div3A_6 : vector<1x256xf32>
    %mul3A = arith.mulf %div3A_3, %div3A_3 : vector<1x256xf32>
    %sub3A = arith.subf %div3A_7, %mul3A : vector<1x256xf32>
    %get3A_8 = arith.constant 0 : index
    %get3A_9 = arith.constant 0 : index
    %get3A_10 = vector.load %arg8[%get3A_8, %get3A_9] : memref<1x256xf32, #tpu.memory_space<vmem>>, vector<1x256xf32>
    %add3A = arith.constant 9.99999974E-6 : f32
    %add3A_11 = vector.broadcast %add3A : f32 to vector<1x256xf32>
    %add3A_12 = arith.addf %sub3A, %add3A_11 : vector<1x256xf32>
    %rsqrt3A = math.rsqrt %add3A_12 : vector<1x256xf32>
    %mul3A_13 = arith.mulf %get3A_10, %rsqrt3A : vector<1x256xf32>
    %get3A_14 = arith.constant 0 : index
    %get3A_15 = arith.constant 0 : index
    %get3A_16 = vector.load %arg9[%get3A_14, %get3A_15] : memref<1x256xf32, #tpu.memory_space<vmem>>, vector<1x256xf32>
    %mul3A_17 = arith.mulf %div3A_3, %mul3A_13 : vector<1x256xf32>
    %sub3A_18 = arith.subf %get3A_16, %mul3A_17 : vector<1x256xf32>
    %get3A_19 = arith.constant 0 : index
    %get3A_20 = arith.constant 0 : index
    %get3A_21 = vector.load %arg10[%get3A_19, %get3A_20] : memref<1x256xf32, #tpu.memory_space<vmem>>, vector<1x256xf32>
    %add3A_22 = arith.addf %sub3A_18, %get3A_21 : vector<1x256xf32>
    %get3A_23 = arith.constant 0 : index
    %get3A_24 = arith.constant 0 : index
    %get3A_25 = arith.constant 0 : index
    %get3A_26 = vector.load %arg2[%get3A_23, %get3A_24, %get3A_25] : memref<2x1000x128xf32, #tpu.memory_space<vmem>>, vector<1x1000x128xf32>
    %get3A_27 = vector.shape_cast %get3A_26 : vector<1x1000x128xf32> to vector<1000x128xf32>
    %get3A_28 = arith.constant 1 : index
    %get3A_29 = arith.constant 0 : index
    %get3A_30 = arith.constant 0 : index
    %get3A_31 = vector.load %arg2[%get3A_28, %get3A_29, %get3A_30] : memref<2x1000x128xf32, #tpu.memory_space<vmem>>, vector<1x1000x128xf32>
    %get3A_32 = vector.shape_cast %get3A_31 : vector<1x1000x128xf32> to vector<1000x128xf32>
    %add3A_33 = arith.addf %get3A_27, %get3A_32 : vector<1000x128xf32>
    %get3A_34 = arith.constant 0 : index
    %get3A_35 = arith.constant 0 : index
    %get3A_36 = vector.load %arg3[%get3A_34, %get3A_35] : memref<1000x128xf32, #tpu.memory_space<vmem>>, vector<1000x128xf32>
    %add3A_37 = arith.addf %add3A_33, %get3A_36 : vector<1000x128xf32>
    %get3A_38 = arith.constant 0 : index
    %get3A_39 = arith.constant 0 : index
    %get3A_40 = vector.load %arg4[%get3A_38, %get3A_39] : memref<1000x1xf32, #tpu.memory_space<vmem>>, vector<1000x1xf32>
    %mul3A_41 = vector.broadcast %get3A_40 : vector<1000x1xf32> to vector<1000x128xf32>
    %mul3A_42 = arith.mulf %add3A_37, %mul3A_41 : vector<1000x128xf32>
    %get3A_43 = arith.constant 0 : index
    %get3A_44 = arith.constant 0 : index
    %get3A_45 = vector.load %arg6[%get3A_43, %get3A_44] : memref<128x256xf32, #tpu.memory_space<vmem>>, vector<128x256xf32>
    %dot_general3A = arith.constant dense<0.000000e+00> : vector<1000x256xf32>
    %dot_general3A_46 = tpu.matmul %mul3A_42, %get3A_45, %dot_general3A {dimension_numbers = #tpu.dot_dimension_numbers<[1], [0], [0], [1], [0, 0, 1, 1], [], []>, transpose_lhs_hint = false} : vector<1000x128xf32>, vector<128x256xf32>, vector<1000x256xf32> -> vector<1000x256xf32>
    %get3A_47 = arith.constant 0 : index
    %get3A_48 = arith.constant 0 : index
    %get3A_49 = vector.load %arg5[%get3A_47, %get3A_48] : memref<1000x128xf32, #tpu.memory_space<vmem>>, vector<1000x128xf32>
    %get3A_50 = arith.constant 0 : index
    %get3A_51 = arith.constant 0 : index
    %get3A_52 = vector.load %arg7[%get3A_50, %get3A_51] : memref<256x128xf32, #tpu.memory_space<vmem>>, vector<256x128xf32>
    %dot_general3A_53 = arith.constant dense<0.000000e+00> : vector<1000x256xf32>
    %dot_general3A_54 = tpu.matmul %get3A_49, %get3A_52, %dot_general3A_53 {dimension_numbers = #tpu.dot_dimension_numbers<[1], [1], [0], [0], [0, 0, 1, 0], [], []>, transpose_lhs_hint = false} : vector<1000x128xf32>, vector<256x128xf32>, vector<1000x256xf32> -> vector<1000x256xf32>
    %mul3A_55 = vector.broadcast %mul3A_13 : vector<1x256xf32> to vector<1000x256xf32>
    %mul3A_56 = arith.mulf %dot_general3A_46, %mul3A_55 : vector<1000x256xf32>
    %add3A_57 = arith.addf %mul3A_56, %dot_general3A_54 : vector<1000x256xf32>
    %add3A_58 = vector.broadcast %add3A_22 : vector<1x256xf32> to vector<1000x256xf32>
    %add3A_59 = arith.addf %add3A_57, %add3A_58 : vector<1000x256xf32>
    %max3A = arith.constant 0.000000e+00 : f32
    %max3A_60 = vector.broadcast %max3A : f32 to vector<1000x256xf32>
    %max3A_61 = arith.maximumf %add3A_59, %max3A_60 : vector<1000x256xf32>
    %swap3A = arith.constant 0 : index
    %swap3A_62 = arith.constant 0 : index
    %swap3A_63 = vector.load %arg11[%swap3A, %swap3A_62] : memref<1000x256xf32, #tpu.memory_space<vmem>>, vector<1000x256xf32>
    tpu.vector_store %arg11[%swap3A, %swap3A_62], %max3A_61 {strides = array<i32>} : memref<1000x256xf32, #tpu.memory_space<vmem>>, vector<1000x256xf32>,
    return
  }
  func.func @transform_0(%arg0: i32) -> (i32, i32) {
    %c0_i32 = arith.constant 0 : i32
    %c0_i32_0 = arith.constant 0 : i32
    %c0_i32_1 = arith.constant 0 : i32
    return %c0_i32, %c0_i32_0 : i32, i32
  }
  func.func @transform_1(%arg0: i32) -> (i32, i32, i32) {
    %c0_i32 = arith.constant 0 : i32
    %c0_i32_0 = arith.constant 0 : i32
    %c0_i32_1 = arith.constant 0 : i32
    return %c0_i32, %arg0, %c0_i32_0 : i32, i32, i32
  }
  func.func @transform_2(%arg0: i32) -> (i32, i32) {
    %c0_i32 = arith.constant 0 : i32
    %c0_i32_0 = arith.constant 0 : i32
    return %arg0, %c0_i32 : i32, i32
  }
  func.func @transform_3(%arg0: i32) -> (i32, i32) {
    %c0_i32 = arith.constant 0 : i32
    %c0_i32_0 = arith.constant 0 : i32
    return %arg0, %c0_i32 : i32, i32
  }
  func.func @transform_4(%arg0: i32) -> (i32, i32) {
    %c0_i32 = arith.constant 0 : i32
    %c0_i32_0 = arith.constant 0 : i32
    return %arg0, %c0_i32 : i32, i32
  }
  func.func @transform_5(%arg0: i32) -> (i32, i32) {
    %c0_i32 = arith.constant 0 : i32
    %c0_i32_0 = arith.constant 0 : i32
    %c0_i32_1 = arith.constant 0 : i32
    return %c0_i32, %c0_i32_0 : i32, i32
  }
  func.func @transform_6(%arg0: i32) -> (i32, i32) {
    %c0_i32 = arith.constant 0 : i32
    %c0_i32_0 = arith.constant 0 : i32
    %c0_i32_1 = arith.constant 0 : i32
    return %c0_i32, %c0_i32_0 : i32, i32
  }
  func.func @transform_7(%arg0: i32) -> (i32, i32) {
    %c0_i32 = arith.constant 0 : i32
    %c0_i32_0 = arith.constant 0 : i32
    %c0_i32_1 = arith.constant 0 : i32
    return %c0_i32, %c0_i32_0 : i32, i32
  }
  func.func @transform_8(%arg0: i32) -> (i32, i32) {
    %c0_i32 = arith.constant 0 : i32
    %c0_i32_0 = arith.constant 0 : i32
    %c0_i32_1 = arith.constant 0 : i32
    return %c0_i32, %c0_i32_0 : i32, i32
  }
  func.func @transform_9(%arg0: i32) -> (i32, i32) {
    %c0_i32 = arith.constant 0 : i32
    %c0_i32_0 = arith.constant 0 : i32
    %c0_i32_1 = arith.constant 0 : i32
    return %c0_i32, %c0_i32_0 : i32, i32
  }
  func.func @transform_10(%arg0: i32) -> (i32, i32) {
    %c0_i32 = arith.constant 0 : i32
    %c0_i32_0 = arith.constant 0 : i32
    return %arg0, %c0_i32 : i32, i32
  }
}

</mosaic_0001>

<sc_bundles>
// kernel: kernel.10.cloned.1.call-start
scs
__scs_entry_jumppad:
0x0: {  	(pc) =	sbr.rel $0x88, $3  }
0x1: {  	(tag) =	ssettag $0x0;
	lr =	simm.s32 $0x1  }
0x2: {  	[smem:$0x3F9A] =	sst lr;
	_ =	strace $0xD0000000  }
0x3: {  	_ = 	snop  }
0x4: {  	_ = 	snop  }
0x5: {  	_ = 	snop  }
0x6: {  	_ = 	snop  }
0x7: {  	_ = 	snop  }
__scs_overlays_trampoline_lowered:
0x8: {  	[smem:$0x3FA9] =	sst s0  }
0x9: {  	[smem:$0x3FAA] =	sst s1  }
0xa: {  	[smem:$0x3FAB] =	sst s2  }
0xb: {  	[smem:$0x3FAC] =	sst s3  }
0xc: {  	[smem:$0x3FAD] =	sst s4  }
0xd: {  	[smem:$0x3FAE] =	sst s5  }
0xe: {  	[smem:$0x3FAF] =	sst s6  }
0xf: {  	[smem:$0x3FB0] =	sst s7  }
0x10: {  	[smem:$0x3FB1] =	sst s8  }
0x11: {  	[smem:$0x3FB2] =	sst s9;
	s0 =	simm.s32 @!p0 $0x0  }
0x12: {  	s1 =	sld [smem:$0x3F98];
	s0 =	simm.s32 @p0 $0x1  }
0x13: {  	[smem:$0x3FB3] =	sst s0;
	s0 =	simm.s32 @!p1 $0x0  }
0x14: {  	s2 =	sld [smem:$0x3F97];
	s0 =	simm.s32 @p1 $0x1  }
0x15: {  	[smem:$0x3FB4] =	sst s0;
	s0 =	simm.s32 @!p2 $0x0  }
0x16: {  	s3 =	sld [smem:$0x3FDB];
	s0 =	simm.s32 @p2 $0x1  }
0x17: {  	s4 =	simm.s32 $0x1BF5;
	[smem:$0x3FB6] =	sst s0  }
0x18: {  	s0 =	sld [smem:$0x3F99];
	_ =	swait.ge [sflag:s4], $0x0  }
0x19: {  	s7 =	sld [smem:$0x3F9A]  }
0x1a: {  	s8 =	sadd.s32 $0xFFFFE003, lr  }
0x1b: {  	s9 =	sadd.s32 $0xFFFFFEF7, lr;
	s5 =	simm.s32 $0xFFFFFFFF;
	p2 =	slt.u32 s8, $0xFFFFF086  }
0x1c: {  	p1 =	slt.u32 s9, $0xF7A;
	s5 =	simm.s32 @!p2 $0x0  }
0x1d: {  	s5 =	simm.s32 @p1 $0x1;
	p0 =	seq.s32 s7, s2  }
0x1e: {  	s7 =	smul.u32 @!p0 $0xF7A, s2;
	p2 =	seq.s32 @!p0 s5, $0x0  }
0x1f: {  	s9 =	smul.u32 $0xF7A, s1;
	s8 =	simm.s32 @!p0 $0x1BF5;
	p2 =	por !p2, p0  }
0x20: {  	[sflag:s8] =	ssyncset.s32 @!p0 $0xFFFFF086;
	s6 =	sadd.s32 @!p0 s3, s7;
	s7 =	simm.s32 @!p0 $0x108  }
0x21: {  	s3 =	sadd.s32 s3, s9;
	s6 =	sadd.s32 @!p0 $0x88, s6;
	s7 =	simm.s32 @p2 $0x1082  }
0x22: {  	[simem:s7], [sflag:s8] =	dma.local @!p0 [hbm:s6], $0xF7A  }
0x23: {  	s9 =	sor.u32 $0xD0000000, s2;
	s6 =	simm.s32 $0x108;
	_ =	swait.ge @!p0 [sflag:s8], $0x0  }
0x24: {  	s3 =	sadd.s32 $0x88, s3;
	s6 =	simm.s32 @!p1 $0x1082;
	[sflag:s4] =	ssyncset.s32 $0xFFFFF086  }
0x25: {  	[simem:s6], [sflag:s4] =	dma.local [hbm:s3], $0xF7A  }
0x26: {  	[smem:$0x3F9A] =	sst s1;
	(tag) =	ssettag s2;
	_ =	strace s9  }
0x27: {  	s1 =	sld [smem:$0x3FAA]  }
0x28: {  	s2 =	sld [smem:$0x3FAB]  }
0x29: {  	s4 =	sld [smem:$0x3FAD]  }
0x2a: {  	p0 =	seq.s32 s5, $0x0;
	s5 =	sld [smem:$0x3FAE]  }
0x2b: {  	s6 =	sld [smem:$0x3FAF]  }
0x2c: {  	s7 =	sld [smem:$0x3FB0]  }
0x2d: {  	s3 =	simm.s32 $0x108;
	s8 =	sld [smem:$0x3FB1]  }
0x2e: {  	s3 =	simm.s32 @!p0 $0x1082;
	s9 =	sld [smem:$0x3FB2]  }
0x2f: {  	lr =	sadd.s32 s0, s3;
	s0 =	sld [smem:$0x3FA9]  }
0x30: {  	s3 =	sld [smem:$0x3FAC]  }
0x31: {  	[smem:$0x3FB5] =	sst s10  }
0x32: {  	s10 =	sld [smem:$0x3FB3];
	_ =	sdelay $0x3  }
0x33: {  	p0 =	seq.s32 s10, $0x1;
	s10 =	sld [smem:$0x3FB5];
	_ =	sdelay $0x3  }
0x34: {  	[smem:$0x3FB5] =	sst s10  }
0x35: {  	s10 =	sld [smem:$0x3FB4];
	_ =	sdelay $0x3  }
0x36: {  	p1 =	seq.s32 s10, $0x1;
	s10 =	sld [smem:$0x3FB5];
	_ =	sdelay $0x3  }
0x37: {  	[smem:$0x3FB5] =	sst s10  }
0x38: {  	s10 =	sld [smem:$0x3FB6]  }
0x39: {  	_ = 	snop;
	(pc) =	sbr.ind lr, $3  }
0x3a: {  	_ = 	snop  }
0x3b: {  	_ = 	snop  }
0x3c: {  	p2 =	seq.s32 s10, $0x1;
	s10 =	sld [smem:$0x3FB5]  }
0x3d: {  	_ =	shalt  }
0x3e: {  	_ =	shalt  }
0x3f: {  	_ =	shalt  }
0x40: {  	_ =	shalt  }
0x41: {  	_ =	shalt  }
0x42: {  	_ =	shalt  }
0x43: {  	_ =	shalt  }
0x44: {  	_ =	shalt  }
0x45: {  	_ =	shalt  }
0x46: {  	_ =	shalt  }
0x47: {  	_ =	shalt  }
0x48: {  	_ =	shalt  }
0x49: {  	_ =	shalt  }
0x4a: {  	_ =	shalt  }
0x4b: {  	_ =	shalt  }
0x4c: {  	_ =	shalt  }
0x4d: {  	_ =	shalt  }
0x4e: {  	_ =	shalt  }
0x4f: {  	_ =	shalt  }
0x50: {  	_ =	shalt  }
0x51: {  	_ =	shalt  }
0x52: {  	_ =	shalt  }
0x53: {  	_ =	shalt  }
0x54: {  	_ =	shalt  }
0x55: {  	_ =	shalt  }
0x56: {  	_ =	shalt  }
0x57: {  	_ =	shalt  }
0x58: {  	_ =	shalt  }
0x59: {  	_ =	shalt  }
0x5a: {  	_ =	shalt  }
0x5b: {  	_ =	shalt  }
0x5c: {  	_ =	shalt  }
0x5d: {  	_ =	shalt  }
0x5e: {  	_ =	shalt  }
0x5f: {  	_ =	shalt  }
0x60: {  	_ =	shalt  }
0x61: {  	_ =	shalt  }
0x62: {  	_ =	shalt  }
0x63: {  	_ =	shalt  }
0x64: {  	_ =	shalt  }
0x65: {  	_ =	shalt  }
0x66: {  	_ =	shalt  }
0x67: {  	_ =	shalt  }
0x68: {  	_ =	shalt  }
0x69: {  	_ =	shalt  }
0x6a: {  	_ =	shalt  }
0x6b: {  	_ =	shalt  }
0x6c: {  	_ =	shalt  }
0x6d: {  	_ =	shalt  }
0x6e: {  	_ =	shalt  }
0x6f: {  	_ =	shalt  }
0x70: {  	_ =	shalt  }
0x71: {  	_ =	shalt  }
0x72: {  	_ =	shalt  }
0x73: {  	_ =	shalt  }
0x74: {  	_ =	shalt  }
0x75: {  	_ =	shalt  }
0x76: {  	_ =	shalt  }
0x77: {  	_ =	shalt  }
0x78: {  	_ =	shalt  }
0x79: {  	_ =	shalt  }
0x7a: {  	_ =	shalt  }
0x7b: {  	_ =	shalt  }
0x7c: {  	_ =	shalt  }
0x7d: {  	_ =	shalt  }
0x7e: {  	_ =	shalt  }
0x7f: {  	_ =	shalt  }
0x80: {  	_ =	shalt  }
0x81: {  	_ =	shalt  }
0x82: {  	_ =	shalt  }
0x83: {  	_ =	shalt  }
0x84: {  	_ =	shalt  }
0x85: {  	_ =	shalt  }
0x86: {  	_ =	shalt  }
0x87: {  	_ =	shalt  }
.Lfunc_end0:
.L_simem_size_0:
called_computation.1_lowered:
.L_overlay_start_0:
0x88: {  	s2 =	sld [smem:$0x3FD9]  }
0x89: {  	s3 =	sld [smem:$0x3FFE];
	_ =	sdelay $0x1  }
0x8a: {  	s1 =	srdreg.scid  }
0x8b: {  	s0 =	sand.u32 $0x1, s1  }
0x8c: {  	s17 =	sshll.u32 s0, $0xA;
	s2 =	sadd.s32 s3, s2  }
0x8d: {  	s2 =	sadd.s32 s2, s17  }
0x8e: {  	[smem:$0x3FC1] =	sst s2  }
0x8f: {  	_ = 	snop  }
0x90: {  	s2 =	sld [smem:$0x3FD0];
	(tm) =	ssettm $0x1  }
0x91: {  	s18 =	sld [smem:$0x3FFB];
	_ =	sdelay $0x3  }
0x92: {  	_ =	strace s18  }
0x93: {  	s3 =	sld [smem:$0x3FFC];
	_ =	sdelay $0x3  }
0x94: {  	_ =	strace s3  }
0x95: {  	s3 =	sld [smem:$0x3FFD];
	_ =	sdelay $0x3  }
0x96: {  	_ =	strace s3  }
0x97: {  	_ =	strace $0x8FFFFFFF  }
0x98: {  	s19 =	sld [smem:$0x3FDB];
	_ =	sdelay $0x1  }
0x99: {  	s4 =	simm.s32 $_scs_section_size  }
0x9a: {  	s5 =	simm.s32 $_size__tile_overlayer_lowered;
	s6 =	simm.s32 $_tile_overlayer_lowered  }
0x9b: {  	s22 =	simm.s32 $0x1BFF;
	s21 =	sshll.u32 s6, $0x1;
	s3 =	sadd.s32 s4, s19  }
0x9c: {  	s7 =	simm.s32 $0x0;
	s20 =	sshll.u32 s5, $0x1;
	s5 =	sadd.s32 s21, s3  }
0x9d: {  	[timem:s7], [sflag:s22] =	dma.local [hbm:s5], s20  }
0x9e: {  	_ =	swait.ge [sflag:s22], s20  }
0x9f: {  	s4 =	ssub.s32 $0x0, s20;
	[sflag:s22] =	ssyncset.done $0x0  }
0xa0: {  	[sflag:s22] =	ssyncadd.s32 s4;
	_ =	sdelay $0x1  }
0xa1: {  	s23 =	simm.s32 $0x1B8B  }
0xa2: {  	_ =	swait.ge [sflag:s23], $0x1  }
0xa3: {  	[sflag:s23] =	ssyncset.done $0x0  }
0xa4: {  	s25 =	simm.s32 $0x1B8E;
	s24 =	sld [smem:$0x3FFE];
	[sflag:s23] =	ssyncadd.s32 $0xFFFFFFFF  }
0xa5: {  	s26 =	simm.s32 $execute0_lowered;
	[smem:$0x3FD2] =	sst s25  }
0xa6: {  	s5 =	sshll.u32 s26, $0x1;
	_ =	strace $0x80000049;
	[dreg:$0x1] =	wrdreg $0xFFFFFFFF  }
0xa7: {  	s28 =	simm.s32 $_size_execute0_lowered;
	s3 =	sadd.s32 s3, s5;
	[dreg:$0x0] =	wrdreg $0x0  }
0xa8: {  	s5 =	sshll.u32 s28, $0x1;
	[dreg:$0x2] =	wrdreg s3  }
0xa9: {  	[dreg:$0x3] =	wrdreg s5  }
0xaa: {  	[dreg:$0x4] =	wrdreg $0xC0  }
0xab: {  	_ =	task [dreg:s7], $0x5FFFF  }
0xac: {  	[dreg:$0x1] =	wrdreg $0xFFFFFFFF  }
0xad: {  	[dreg:$0x0] =	wrdreg $0x60  }
0xae: {  	[dreg:$0x2] =	wrdreg s2  }
0xaf: {  	[dreg:$0x3] =	wrdreg s24  }
0xb0: {  	[dreg:$0x4] =	wrdreg $0x90000  }
0xb1: {  	[dreg:$0x5] =	wrdreg $0x9  }
0xb2: {  	_ =	task.clear_ibuf [dreg:s7], $0x6FFFF;
	_ =	strace $0x90000049  }
0xb3: {  	s29 =	simm.s32 $0x9;
	_ =	strace $0x8000004B  }
0xb4: {  	_ =	swait.ge [sflag:s29], $0x1  }
0xb5: {  	[sflag:s29] =	ssyncadd.s32 $0xFFFFFFFF  }
0xb6: {  	_ =	strace $0x9000004B  }
0xb7: {  	_ =	sfence  }
0xb8: {  	s30 =	sld [smem:$0x0];
	_ =	sdelay $0x2  }
0xb9: {  	s31 =	sshll.u32 s1, $0xD;
	s1 =	sshrl.u32 s1, $0x2  }
0xba: {  	s3 =	sand.u32 $0x4000, s31;
	s1 =	sadd.s32 s1, s30  }
0xbb: {  	s0 =	sor.u32 s3, s0;
	s1 =	sshll.u32 s1, $0x11  }
0xbc: {  	s0 =	sor.u32 s1, s0  }
0xbd: {  	s0 =	sadd.s32 $0x8F2B, s0  }
0xbe: {  	[sflag:s0] =	ssyncadd.remote.s32 $0x1  }
0xbf: {  	_ =	sfence.sel $0xFFFF  }
0xc0: {  	[dreg:$0x0] =	wrdreg $0xFFFFFFFF;
	(pc) =	sbr.abs _section_cstart, $3  }
0xc1: {  	[dreg:$0x1] =	wrdreg $0xFFFFFFFF  }
0xc2: {  	_ =	task.clear_ibuf [dreg:s7], $0x2FFFF;
	_ =	strace $0x9FFFFFFF  }
0xc3: {  	(tm) =	ssettm $0x7FFFFFFF  }
tec
execute0_lowered:
.L_overlay_start_1:
0x0: {  	(tag) =	ssettag $0x1  }
0x1: {  	s2 =	rddreg [dreg:$0x0]  }
0x2: {  	s6 =	rddreg [dreg:$0x1]  }
0x3: {  	s0 =	srdreg.scid;
	s3 =	rddreg [dreg:$0x2];
	s4 =	simm.s32 $0x0  }
0x4: {  	s14 =	simm.s32 $0x80;
	s15 =	simm.s32 $0x5000;
	s5 =	sand.u32 $0x1, s0  }
0x5: {  	s16 =	simm.s32 $0x0;
	s0 =	stileid.u32;
	s8 =	smul.u32 $0x140000, s5  }
0x6: {  	[smem:$0x7FF] =	sst s4;
	s1 =	sshll.u32 s5, $0x4;
	s9 =	smul.u32 $0x14000, s0  }
0x7: {  	s26 =	ssub.s32 $0x2, s5;
	s28 =	smul.u32 $0x50000, s0;
	s5 =	sadd.s32 $0xC400, s6  }
0x8: {  	s31 =	sshll.u32 s0, $0x6;
	s1 =	sor.u32 s0, s1;
	s29 =	sshrl.u32 s26, $0x1  }
0x9: {  	s7 =	smul.u32 $0x500, s1;
	s1 =	rddreg [dreg:$0x3];
	_ =	strace $0x8000004A  }
0xa: {  	s25 =	sadd.s32 s9, s8;
	s12 =	ssub.s32 s26, s29;
	s30 =	sshrl.u32 s28, $0x2  }
0xb: {  	s13 =	sadd.s32 s30, s3;
	s10 =	sadd.s32 s7, s6;
	s7 =	sshrl.u32 s25, $0x3  }
0xc: {  	s11 =	sadd.s32 s7, s6;
	s6 =	sor.u32 $0x1C01, s31;
	s7 =	sadd.s32 $0x5EC00, s10  }
0xd: {  	s8 =	sadd.s32 $0x2400, s10;
	s10 =	smax.u32 s12, $0x1;
	s12 =	simm.s32 $0x1  }
0xe: {  	s9 =	sadd.s32 $0x68C00, s11;
	s11 =	sshrl.u32 s13, $0x3;
	s13 =	simm.s32 $0x2800  }
.LBB2_1:
0xf: {  	[spmem:s11], [sflag:s6] =	dma.local [hbm:s5], $0x2800  }
0x10: {  	_ =	swait.ge [sflag:s12], $0x2800  }
0x11: {  	[sflag:s12] =	ssyncset.done $0x0  }
0x12: {  	[sflag:s12] =	ssyncadd.s32 $0xFFFFD800  }
0x13: {  	[tilespmem:s4], [sflag:$0x1] =	stream.linear.gather [hbm4b:s7+s4], $0x2780, $0x38;
	[tilespmem:$0x1D000] =	vst v63  }
0x14: {  	_ =	swait.ge [sflag:s12], $0x2780  }
0x15: {  	[sflag:s12] =	ssyncset.done $0x0  }
0x16: {  	[sflag:s12] =	ssyncadd.s32 $0xFFFFD880  }
0x17: {  	[tilespmem:s13], [sflag:$0x1] =	stream.linear.gather [hbm4b:s8+s4], $0x2780, $0x38;
	[tilespmem:$0x1D000] =	vst v63  }
0x18: {  	_ =	swait.ge [sflag:s12], $0x2780  }
0x19: {  	[sflag:s12] =	ssyncset.done $0x0  }
0x1a: {  	[sflag:s12] =	ssyncadd.s32 $0xFFFFD880  }
0x1b: {  	s17 =	simm.s32 $0x0;
	[bflag:$0x0] =	sbarrier.arrive $0xFFFF  }
0x1c: {  	[tilespmem:s15], [sflag:$0x1] =	stream.indirect.gather [hbm4b:s2+s14], $0x80, s17, s14, $0xb8;
	[tilespmem:$0x1D000] =	vst v63  }
0x1d: {  	_ =	swait.ge [sflag:s12], $0x4000  }
0x1e: {  	[sflag:s12] =	ssyncset.done $0x0  }
0x1f: {  	s31 =	simm.s32 $0x2800;
	[sflag:s12] =	ssyncadd.s32 $0xFFFFC000  }
0x20: {  	[spmem:s3] =	stream.indirect.scatter.add.f32 [tilespmem:s15], [sflag:$0x1], $0x80, s31, s14, $0xb8;
	[tilespmem:$0x1D000] =	vst v63  }
0x21: {  	_ =	swait.ge [sflag:s12], $0x4000  }
0x22: {  	s18 =	simm.s32 $0x400;
	s17 =	simm.s32 $0x200;
	[sflag:s12] =	ssyncset.done $0x0  }
.LBB2_2:
0x23: {  	s19 =	sshra.s32 s17, $0x2  }
0x24: {  	[sflag:s12] =	ssyncadd.s32 $0xFFFFC000;
	s17 =	smov.u32 s18;
	s20 =	sadd.s32 $0x200, s18  }
0x25: {  	[tilespmem:s15], [sflag:$0x1] =	stream.indirect.gather [hbm4b:s2+s14], $0x80, s19, s14, $0xb8;
	[tilespmem:$0x1D000] =	vst v63  }
0x26: {  	p0 =	sne.s32 s18, $0x9C00;
	_ =	swait.ge [sflag:s12], $0x4000  }
.Ltmp0:
0x27: {  	[sflag:s12] =	ssyncset.done $0x0;
	(pc) =	sbr.rel @p0 .LBB2_2-.Ltmp0, $4  }
0x28: {  	s18 =	sadd.s32 $0x2800, s19;
	[sflag:s12] =	ssyncadd.s32 $0xFFFFC000  }
0x29: {  	[spmem:s3] =	stream.indirect.scatter.add.f32 [tilespmem:s15], [sflag:$0x1], $0x80, s18, s14, $0xb8;
	[tilespmem:$0x1D000] =	vst v63  }
0x2a: {  	_ =	swait.ge [sflag:s12], $0x4000  }
0x2b: {  	s18 =	smov.u32 s20;
	[sflag:s12] =	ssyncset.done $0x0  }
0x2c: {  	s17 =	sshra.s32 s17, $0x2;
	[sflag:s12] =	ssyncadd.s32 $0xFFFFC000  }
0x2d: {  	[tilespmem:s15], [sflag:$0x1] =	stream.indirect.gather [hbm4b:s2+s14], $0x80, s17, s14, $0xb8;
	[tilespmem:$0x1D000] =	vst v63  }
0x2e: {  	_ =	swait.ge [sflag:s12], $0x4000  }
0x2f: {  	[sflag:s12] =	ssyncset.done $0x0  }
0x30: {  	s17 =	sadd.s32 $0x2800, s17;
	[sflag:s12] =	ssyncadd.s32 $0xFFFFC000  }
0x31: {  	[spmem:s3] =	stream.indirect.scatter.add.f32 [tilespmem:s15], [sflag:$0x1], $0x80, s17, s14, $0xb8;
	[tilespmem:$0x1D000] =	vst v63  }
0x32: {  	_ =	swait.ge [sflag:s12], $0x4000  }
0x33: {  	s16 =	sadd.s32 $0x1, s16;
	[sflag:s12] =	ssyncset.done $0x0  }
0x34: {  	p0 =	sne.s32 s16, s10;
	[sflag:s12] =	ssyncadd.s32 $0xFFFFC000  }
.Ltmp1:
0x35: {  	[bflag:$0x0] =	sbarrier.arrive $0xFFFF;
	(pc) =	sbr.rel @p0 .LBB2_1-.Ltmp1, $4  }
0x36: {  	[hbm:s9], [sflag:s6] =	dma.local [spmem:s11], $0x2800  }
0x37: {  	_ =	swait.ge [sflag:s12], $0x2800  }
0x38: {  	[sflag:s12] =	ssyncset.done $0x0  }
0x39: {  	[sflag:s12] =	ssyncadd.s32 $0xFFFFD800  }
0x3a: {  	_ =	sfence.sel $0x180000  }
0x3b: {  	[bflag:$0x0] =	sbarrier.arrive $0xFFFF  }
0x3c: {  	p0 =	sne.s32 s0, $0x0;
	_ =	strace $0x9000004A  }
0x3d: {  	s0 =	sadd.s32 @!p0 $0x100000, s1;
	[bflag:$0x2] =	sbarrier.arrive $0xFFFF  }
0x3e: {  	[sflag:s0] =	ssyncadd.tile.s32 @!p0 $0x1;
	_ =	shalt  }
.Lfunc_end2:
_tile_overlayer_lowered:
.L_overlay_start_2:
0x3f: {  	(tag) =	ssettag $0x2  }
0x40: {  	s0 =	rddreg [dreg:$0x0];
	s2 =	stileid.u32  }
0x41: {  	s1 =	rddreg [dreg:$0x1];
	p0 =	sne.s32 s2, $0x0  }
0x42: {  	s3 =	rddreg [dreg:$0x2];
	[bflag:$0x3] =	sbarrier.arrive $0xFFFF;
	s2 =	simm.s32 @!p0 $0x1C01  }
0x43: {  	[timem:s3], [sflag:s2] =	dma.local @!p0 [hbm:s0], s1  }
0x44: {  	s0 =	simm.s32 @!p0 $0x1  }
0x45: {  	_ =	swait.ge @!p0 [sflag:s0], s1  }
0x46: {  	s1 =	ssub.s32 @!p0 $0x0, s1;
	[sflag:s0] =	ssyncset.done @!p0 $0x0  }
0x47: {  	[sflag:s0] =	ssyncadd.s32 @!p0 s1  }
0x48: {  	[bflag:$0x3] =	sbarrier.arrive $0xFFFF  }
0x49: {  	_ =	shalt  }

// kernel: kernel.7.cloned.1.call-start
scs
__scs_entry_jumppad:
0x0: {  	(pc) =	sbr.rel $0x88, $3  }
0x1: {  	(tag) =	ssettag $0x0;
	lr =	simm.s32 $0x1  }
0x2: {  	[smem:$0x3F9A] =	sst lr;
	_ =	strace $0xD0000000  }
0x3: {  	_ = 	snop  }
0x4: {  	_ = 	snop  }
0x5: {  	_ = 	snop  }
0x6: {  	_ = 	snop  }
0x7: {  	_ = 	snop  }
__scs_overlays_trampoline_lowered:
0x8: {  	[smem:$0x3FA9] =	sst s0  }
0x9: {  	[smem:$0x3FAA] =	sst s1  }
0xa: {  	[smem:$0x3FAB] =	sst s2  }
0xb: {  	[smem:$0x3FAC] =	sst s3  }
0xc: {  	[smem:$0x3FAD] =	sst s4  }
0xd: {  	[smem:$0x3FAE] =	sst s5  }
0xe: {  	[smem:$0x3FAF] =	sst s6  }
0xf: {  	[smem:$0x3FB0] =	sst s7  }
0x10: {  	[smem:$0x3FB1] =	sst s8  }
0x11: {  	[smem:$0x3FB2] =	sst s9;
	s0 =	simm.s32 @!p0 $0x0  }
0x12: {  	s1 =	sld [smem:$0x3F98];
	s0 =	simm.s32 @p0 $0x1  }
0x13: {  	[smem:$0x3FB3] =	sst s0;
	s0 =	simm.s32 @!p1 $0x0  }
0x14: {  	s2 =	sld [smem:$0x3F97];
	s0 =	simm.s32 @p1 $0x1  }
0x15: {  	[smem:$0x3FB4] =	sst s0;
	s0 =	simm.s32 @!p2 $0x0  }
0x16: {  	s3 =	sld [smem:$0x3FDB];
	s0 =	simm.s32 @p2 $0x1  }
0x17: {  	s4 =	simm.s32 $0x1BF5;
	[smem:$0x3FB6] =	sst s0  }
0x18: {  	s0 =	sld [smem:$0x3F99];
	_ =	swait.ge [sflag:s4], $0x0  }
0x19: {  	s7 =	sld [smem:$0x3F9A]  }
0x1a: {  	s8 =	sadd.s32 $0xFFFFE003, lr  }
0x1b: {  	s9 =	sadd.s32 $0xFFFFFEF7, lr;
	s5 =	simm.s32 $0xFFFFFFFF;
	p2 =	slt.u32 s8, $0xFFFFF086  }
0x1c: {  	p1 =	slt.u32 s9, $0xF7A;
	s5 =	simm.s32 @!p2 $0x0  }
0x1d: {  	s5 =	simm.s32 @p1 $0x1;
	p0 =	seq.s32 s7, s2  }
0x1e: {  	s7 =	smul.u32 @!p0 $0xF7A, s2;
	p2 =	seq.s32 @!p0 s5, $0x0  }
0x1f: {  	s9 =	smul.u32 $0xF7A, s1;
	s8 =	simm.s32 @!p0 $0x1BF5;
	p2 =	por !p2, p0  }
0x20: {  	[sflag:s8] =	ssyncset.s32 @!p0 $0xFFFFF086;
	s6 =	sadd.s32 @!p0 s3, s7;
	s7 =	simm.s32 @!p0 $0x108  }
0x21: {  	s3 =	sadd.s32 s3, s9;
	s6 =	sadd.s32 @!p0 $0x88, s6;
	s7 =	simm.s32 @p2 $0x1082  }
0x22: {  	[simem:s7], [sflag:s8] =	dma.local @!p0 [hbm:s6], $0xF7A  }
0x23: {  	s9 =	sor.u32 $0xD0000000, s2;
	s6 =	simm.s32 $0x108;
	_ =	swait.ge @!p0 [sflag:s8], $0x0  }
0x24: {  	s3 =	sadd.s32 $0x88, s3;
	s6 =	simm.s32 @!p1 $0x1082;
	[sflag:s4] =	ssyncset.s32 $0xFFFFF086  }
0x25: {  	[simem:s6], [sflag:s4] =	dma.local [hbm:s3], $0xF7A  }
0x26: {  	[smem:$0x3F9A] =	sst s1;
	(tag) =	ssettag s2;
	_ =	strace s9  }
0x27: {  	s1 =	sld [smem:$0x3FAA]  }
0x28: {  	s2 =	sld [smem:$0x3FAB]  }
0x29: {  	s4 =	sld [smem:$0x3FAD]  }
0x2a: {  	p0 =	seq.s32 s5, $0x0;
	s5 =	sld [smem:$0x3FAE]  }
0x2b: {  	s6 =	sld [smem:$0x3FAF]  }
0x2c: {  	s7 =	sld [smem:$0x3FB0]  }
0x2d: {  	s3 =	simm.s32 $0x108;
	s8 =	sld [smem:$0x3FB1]  }
0x2e: {  	s3 =	simm.s32 @!p0 $0x1082;
	s9 =	sld [smem:$0x3FB2]  }
0x2f: {  	lr =	sadd.s32 s0, s3;
	s0 =	sld [smem:$0x3FA9]  }
0x30: {  	s3 =	sld [smem:$0x3FAC]  }
0x31: {  	[smem:$0x3FB5] =	sst s10  }
0x32: {  	s10 =	sld [smem:$0x3FB3];
	_ =	sdelay $0x3  }
0x33: {  	p0 =	seq.s32 s10, $0x1;
	s10 =	sld [smem:$0x3FB5];
	_ =	sdelay $0x3  }
0x34: {  	[smem:$0x3FB5] =	sst s10  }
0x35: {  	s10 =	sld [smem:$0x3FB4];
	_ =	sdelay $0x3  }
0x36: {  	p1 =	seq.s32 s10, $0x1;
	s10 =	sld [smem:$0x3FB5];
	_ =	sdelay $0x3  }
0x37: {  	[smem:$0x3FB5] =	sst s10  }
0x38: {  	s10 =	sld [smem:$0x3FB6]  }
0x39: {  	_ = 	snop;
	(pc) =	sbr.ind lr, $3  }
0x3a: {  	_ = 	snop  }
0x3b: {  	_ = 	snop  }
0x3c: {  	p2 =	seq.s32 s10, $0x1;
	s10 =	sld [smem:$0x3FB5]  }
0x3d: {  	_ =	shalt  }
0x3e: {  	_ =	shalt  }
0x3f: {  	_ =	shalt  }
0x40: {  	_ =	shalt  }
0x41: {  	_ =	shalt  }
0x42: {  	_ =	shalt  }
0x43: {  	_ =	shalt  }
0x44: {  	_ =	shalt  }
0x45: {  	_ =	shalt  }
0x46: {  	_ =	shalt  }
0x47: {  	_ =	shalt  }
0x48: {  	_ =	shalt  }
0x49: {  	_ =	shalt  }
0x4a: {  	_ =	shalt  }
0x4b: {  	_ =	shalt  }
0x4c: {  	_ =	shalt  }
0x4d: {  	_ =	shalt  }
0x4e: {  	_ =	shalt  }
0x4f: {  	_ =	shalt  }
0x50: {  	_ =	shalt  }
0x51: {  	_ =	shalt  }
0x52: {  	_ =	shalt  }
0x53: {  	_ =	shalt  }
0x54: {  	_ =	shalt  }
0x55: {  	_ =	shalt  }
0x56: {  	_ =	shalt  }
0x57: {  	_ =	shalt  }
0x58: {  	_ =	shalt  }
0x59: {  	_ =	shalt  }
0x5a: {  	_ =	shalt  }
0x5b: {  	_ =	shalt  }
0x5c: {  	_ =	shalt  }
0x5d: {  	_ =	shalt  }
0x5e: {  	_ =	shalt  }
0x5f: {  	_ =	shalt  }
0x60: {  	_ =	shalt  }
0x61: {  	_ =	shalt  }
0x62: {  	_ =	shalt  }
0x63: {  	_ =	shalt  }
0x64: {  	_ =	shalt  }
0x65: {  	_ =	shalt  }
0x66: {  	_ =	shalt  }
0x67: {  	_ =	shalt  }
0x68: {  	_ =	shalt  }
0x69: {  	_ =	shalt  }
0x6a: {  	_ =	shalt  }
0x6b: {  	_ =	shalt  }
0x6c: {  	_ =	shalt  }
0x6d: {  	_ =	shalt  }
0x6e: {  	_ =	shalt  }
0x6f: {  	_ =	shalt  }
0x70: {  	_ =	shalt  }
0x71: {  	_ =	shalt  }
0x72: {  	_ =	shalt  }
0x73: {  	_ =	shalt  }
0x74: {  	_ =	shalt  }
0x75: {  	_ =	shalt  }
0x76: {  	_ =	shalt  }
0x77: {  	_ =	shalt  }
0x78: {  	_ =	shalt  }
0x79: {  	_ =	shalt  }
0x7a: {  	_ =	shalt  }
0x7b: {  	_ =	shalt  }
0x7c: {  	_ =	shalt  }
0x7d: {  	_ =	shalt  }
0x7e: {  	_ =	shalt  }
0x7f: {  	_ =	shalt  }
0x80: {  	_ =	shalt  }
0x81: {  	_ =	shalt  }
0x82: {  	_ =	shalt  }
0x83: {  	_ =	shalt  }
0x84: {  	_ =	shalt  }
0x85: {  	_ =	shalt  }
0x86: {  	_ =	shalt  }
0x87: {  	_ =	shalt  }
.Lfunc_end0:
.L_simem_size_0:
called_computation_lowered:
.L_overlay_start_0:
0x88: {  	s2 =	sld [smem:$0x3FD9]  }
0x89: {  	s3 =	sld [smem:$0x3FFE];
	_ =	sdelay $0x1  }
0x8a: {  	s1 =	srdreg.scid  }
0x8b: {  	s0 =	sand.u32 $0x1, s1  }
0x8c: {  	s17 =	sshll.u32 s0, $0xA;
	s2 =	sadd.s32 s3, s2  }
0x8d: {  	s2 =	sadd.s32 s2, s17  }
0x8e: {  	[smem:$0x3FC1] =	sst s2  }
0x8f: {  	_ = 	snop  }
0x90: {  	s2 =	sld [smem:$0x3FD0];
	(tm) =	ssettm $0x1  }
0x91: {  	s18 =	sld [smem:$0x3FFB];
	_ =	sdelay $0x3  }
0x92: {  	_ =	strace s18  }
0x93: {  	s3 =	sld [smem:$0x3FFC];
	_ =	sdelay $0x3  }
0x94: {  	_ =	strace s3  }
0x95: {  	s3 =	sld [smem:$0x3FFD];
	_ =	sdelay $0x3  }
0x96: {  	_ =	strace s3  }
0x97: {  	_ =	strace $0x8FFFFFFF  }
0x98: {  	s19 =	sld [smem:$0x3FDB];
	_ =	sdelay $0x1  }
0x99: {  	s4 =	simm.s32 $_scs_section_size  }
0x9a: {  	s5 =	simm.s32 $_size__tile_overlayer_lowered;
	s6 =	simm.s32 $_tile_overlayer_lowered  }
0x9b: {  	s22 =	simm.s32 $0x1BFF;
	s21 =	sshll.u32 s6, $0x1;
	s3 =	sadd.s32 s4, s19  }
0x9c: {  	s7 =	simm.s32 $0x0;
	s20 =	sshll.u32 s5, $0x1;
	s5 =	sadd.s32 s21, s3  }
0x9d: {  	[timem:s7], [sflag:s22] =	dma.local [hbm:s5], s20  }
0x9e: {  	_ =	swait.ge [sflag:s22], s20  }
0x9f: {  	s4 =	ssub.s32 $0x0, s20;
	[sflag:s22] =	ssyncset.done $0x0  }
0xa0: {  	[sflag:s22] =	ssyncadd.s32 s4;
	_ =	sdelay $0x1  }
0xa1: {  	s23 =	simm.s32 $0x1B8B  }
0xa2: {  	_ =	swait.ge [sflag:s23], $0x1  }
0xa3: {  	[sflag:s23] =	ssyncset.done $0x0  }
0xa4: {  	s25 =	simm.s32 $0x1B8E;
	s24 =	sld [smem:$0x3FFE];
	[sflag:s23] =	ssyncadd.s32 $0xFFFFFFFF  }
0xa5: {  	s26 =	simm.s32 $execute0_lowered;
	[smem:$0x3FD2] =	sst s25  }
0xa6: {  	s5 =	sshll.u32 s26, $0x1;
	_ =	strace $0x80000046;
	[dreg:$0x1] =	wrdreg $0xFFFFFFFF  }
0xa7: {  	s28 =	simm.s32 $_size_execute0_lowered;
	s3 =	sadd.s32 s3, s5;
	[dreg:$0x0] =	wrdreg $0x0  }
0xa8: {  	s5 =	sshll.u32 s28, $0x1;
	[dreg:$0x2] =	wrdreg s3  }
0xa9: {  	[dreg:$0x3] =	wrdreg s5  }
0xaa: {  	[dreg:$0x4] =	wrdreg $0xC0  }
0xab: {  	_ =	task [dreg:s7], $0x5FFFF  }
0xac: {  	[dreg:$0x1] =	wrdreg $0xFFFFFFFF  }
0xad: {  	[dreg:$0x0] =	wrdreg $0x60  }
0xae: {  	[dreg:$0x2] =	wrdreg s24  }
0xaf: {  	[dreg:$0x3] =	wrdreg s2  }
0xb0: {  	[dreg:$0x4] =	wrdreg $0x68000  }
0xb1: {  	[dreg:$0x5] =	wrdreg $0x9  }
0xb2: {  	_ =	task.clear_ibuf [dreg:s7], $0x6FFFF;
	_ =	strace $0x90000046  }
0xb3: {  	s29 =	simm.s32 $0x9;
	_ =	strace $0x80000048  }
0xb4: {  	_ =	swait.ge [sflag:s29], $0x1  }
0xb5: {  	[sflag:s29] =	ssyncadd.s32 $0xFFFFFFFF  }
0xb6: {  	_ =	strace $0x90000048  }
0xb7: {  	_ =	sfence  }
0xb8: {  	s30 =	sld [smem:$0x0];
	_ =	sdelay $0x2  }
0xb9: {  	s31 =	sshll.u32 s1, $0xD;
	s1 =	sshrl.u32 s1, $0x2  }
0xba: {  	s3 =	sand.u32 $0x4000, s31;
	s1 =	sadd.s32 s1, s30  }
0xbb: {  	s0 =	sor.u32 s3, s0;
	s1 =	sshll.u32 s1, $0x11  }
0xbc: {  	s0 =	sor.u32 s1, s0  }
0xbd: {  	s0 =	sadd.s32 $0x8F2B, s0  }
0xbe: {  	[sflag:s0] =	ssyncadd.remote.s32 $0x1  }
0xbf: {  	_ =	sfence.sel $0xFFFF  }
0xc0: {  	[dreg:$0x0] =	wrdreg $0xFFFFFFFF;
	(pc) =	sbr.abs _section_cstart, $3  }
0xc1: {  	[dreg:$0x1] =	wrdreg $0xFFFFFFFF  }
0xc2: {  	_ =	task.clear_ibuf [dreg:s7], $0x2FFFF;
	_ =	strace $0x9FFFFFFF  }
0xc3: {  	(tm) =	ssettm $0x7FFFFFFF  }
tec
execute0_lowered:
.L_overlay_start_1:
0x0: {  	(tag) =	ssettag $0x1  }
0x1: {  	s7 =	rddreg [dreg:$0x0]  }
0x2: {  	s0 =	srdreg.scid;
	s2 =	rddreg [dreg:$0x1]  }
0x3: {  	s3 =	rddreg [dreg:$0x2];
	s4 =	simm.s32 $0x0;
	s6 =	sand.u32 $0x1, s0  }
0x4: {  	s13 =	simm.s32 $0x80;
	s0 =	stileid.u32;
	s8 =	smul.u32 $0x140000, s6  }
0x5: {  	s14 =	simm.s32 $0x0;
	[smem:$0x7FF] =	sst s4;
	s9 =	smul.u32 $0x14000, s0  }
0x6: {  	s1 =	sshll.u32 s6, $0x4;
	s29 =	smul.u32 $0x50000, s0;
	s6 =	ssub.s32 $0x2, s6  }
0x7: {  	s31 =	sshll.u32 s0, $0x6;
	s1 =	sor.u32 s0, s1;
	s30 =	sshrl.u32 s6, $0x1  }
0x8: {  	s5 =	smul.u32 $0x500, s1;
	s1 =	rddreg [dreg:$0x3];
	_ =	strace $0x80000047  }
0x9: {  	s8 =	sadd.s32 s9, s8;
	s9 =	sshrl.u32 s29, $0x2;
	s11 =	ssub.s32 s6, s30  }
0xa: {  	s6 =	sor.u32 $0x1C01, s31;
	s8 =	sshrl.u32 s8, $0x3;
	s12 =	sadd.s32 s9, s3  }
0xb: {  	s9 =	smax.u32 s11, $0x1;
	s11 =	simm.s32 $0x1;
	s10 =	sadd.s32 s5, s7  }
0xc: {  	s5 =	sadd.s32 $0xC400, s7;
	s8 =	sadd.s32 s8, s7;
	s7 =	sadd.s32 $0x2400, s10  }
0xd: {  	s8 =	sadd.s32 $0xEC00, s8;
	s10 =	sshrl.u32 s12, $0x3;
	s12 =	simm.s32 $0x2800  }
.LBB2_1:
0xe: {  	[spmem:s10], [sflag:s6] =	dma.local [hbm:s5], $0x2800  }
0xf: {  	_ =	swait.ge [sflag:s11], $0x2800  }
0x10: {  	[sflag:s11] =	ssyncset.done $0x0  }
0x11: {  	[sflag:s11] =	ssyncadd.s32 $0xFFFFD800  }
0x12: {  	[tilespmem:s4], [sflag:$0x1] =	stream.linear.gather [hbm4b:s7+s4], $0x2780, $0x38;
	[tilespmem:$0x1A800] =	vst v63  }
0x13: {  	_ =	swait.ge [sflag:s11], $0x2780  }
0x14: {  	[sflag:s11] =	ssyncset.done $0x0  }
0x15: {  	[sflag:s11] =	ssyncadd.s32 $0xFFFFD880  }
0x16: {  	[tilespmem:s12], [sflag:$0x1] =	stream.linear.gather [hbm4b:s2+s4], $0x4000, $0x38;
	[tilespmem:$0x1A800] =	vst v63  }
0x17: {  	_ =	swait.ge [sflag:s11], $0x4000  }
0x18: {  	[sflag:s11] =	ssyncset.done $0x0  }
0x19: {  	[sflag:s11] =	ssyncadd.s32 $0xFFFFC000  }
0x1a: {  	s15 =	simm.s32 $0x0;
	[bflag:$0x0] =	sbarrier.arrive $0xFFFF  }
0x1b: {  	[spmem:s3] =	stream.indirect.scatter.add.f32 [tilespmem:s12], [sflag:$0x1], $0x80, s15, s13, $0xb8;
	[tilespmem:$0x1A800] =	vst v63  }
0x1c: {  	_ =	swait.ge [sflag:s11], $0x4000  }
0x1d: {  	s15 =	simm.s32 $0x200;
	[sflag:s11] =	ssyncset.done $0x0  }
.LBB2_2:
0x1e: {  	s16 =	sshra.s32 s15, $0x2;
	[sflag:s11] =	ssyncadd.s32 $0xFFFFC000;
	p0 =	sne.s32 s15, $0x9C00  }
0x1f: {  	[spmem:s3] =	stream.indirect.scatter.add.f32 [tilespmem:s12], [sflag:$0x1], $0x80, s16, s13, $0xb8;
	[tilespmem:$0x1A800] =	vst v63  }
.Ltmp0:
0x20: {  	_ = 	snop;
	(pc) =	sbr.rel @p0 .LBB2_2-.Ltmp0, $4  }
0x21: {  	_ = 	snop  }
0x22: {  	s15 =	sadd.s32 $0x200, s15  }
0x23: {  	_ =	swait.ge [sflag:s11], $0x4000  }
0x24: {  	[sflag:s11] =	ssyncset.done $0x0  }
0x25: {  	s14 =	sadd.s32 $0x1, s14  }
0x26: {  	[sflag:s11] =	ssyncadd.s32 $0xFFFFC000;
	p0 =	sne.s32 s14, s9  }
.Ltmp1:
0x27: {  	[bflag:$0x0] =	sbarrier.arrive $0xFFFF;
	(pc) =	sbr.rel @p0 .LBB2_1-.Ltmp1, $4  }
0x28: {  	[hbm:s8], [sflag:s6] =	dma.local [spmem:s10], $0x2800  }
0x29: {  	_ =	swait.ge [sflag:s11], $0x2800  }
0x2a: {  	[sflag:s11] =	ssyncset.done $0x0  }
0x2b: {  	[sflag:s11] =	ssyncadd.s32 $0xFFFFD800  }
0x2c: {  	_ =	sfence.sel $0x180000  }
0x2d: {  	[bflag:$0x0] =	sbarrier.arrive $0xFFFF  }
0x2e: {  	p0 =	sne.s32 s0, $0x0;
	_ =	strace $0x90000047  }
0x2f: {  	s0 =	sadd.s32 @!p0 $0x100000, s1;
	[bflag:$0x2] =	sbarrier.arrive $0xFFFF  }
0x30: {  	[sflag:s0] =	ssyncadd.tile.s32 @!p0 $0x1;
	_ =	shalt  }
.Lfunc_end2:
_tile_overlayer_lowered:
.L_overlay_start_2:
0x31: {  	(tag) =	ssettag $0x2  }
0x32: {  	s0 =	rddreg [dreg:$0x0];
	s2 =	stileid.u32  }
0x33: {  	s1 =	rddreg [dreg:$0x1];
	p0 =	sne.s32 s2, $0x0  }
0x34: {  	s3 =	rddreg [dreg:$0x2];
	[bflag:$0x3] =	sbarrier.arrive $0xFFFF;
	s2 =	simm.s32 @!p0 $0x1C01  }
0x35: {  	[timem:s3], [sflag:s2] =	dma.local @!p0 [hbm:s0], s1  }
0x36: {  	s0 =	simm.s32 @!p0 $0x1  }
0x37: {  	_ =	swait.ge @!p0 [sflag:s0], s1  }
0x38: {  	s1 =	ssub.s32 @!p0 $0x0, s1;
	[sflag:s0] =	ssyncset.done @!p0 $0x0  }
0x39: {  	[sflag:s0] =	ssyncadd.s32 @!p0 s1  }
0x3a: {  	[bflag:$0x3] =	sbarrier.arrive $0xFFFF  }
0x3b: {  	_ =	shalt  }

</sc_bundles>
